<compile_context>
chip_gen: v7x
topology: tpu7x:2x2x1
jax: 0.10.2.dev20260603
libtpu: 0.0.44.dev20260713+nightly
codegen_flags: <defaults>
</compile_context>

<pallas_src>
import dataclasses
import functools

import jax
import jax.numpy as jnp
from jax import lax
from jax.experimental import pallas as pl
from jax.experimental.pallas import tpu as pltpu
from jax.experimental.pallas import tpu_sc as plsc

_N = 10000
_E = 320000
_D = 128
_H = 128
_C = 64

_NC = 2
_NS = 16
_NW = _NC * _NS
_EW = _E // _NW
_CHE = 128
_ET = _E // _NS
_CPT = 160
_EPT = _CPT * _CHE
_NP = 10240
_NH = 5120
_ACC_R = 5248
_ZRT = _ACC_R // _NS
_DPT = _NH // _NS

_mesh = plsc.VectorSubcoreMesh(core_axis_name="c", subcore_axis_name="s")

_sc_params = pltpu.CompilerParams()
if "needs_layout_passes" in pltpu.CompilerParams.__dataclass_fields__:
    _sc_params = dataclasses.replace(_sc_params, needs_layout_passes=False)


def _sc_deg_body(dstf_hbm, out_hbm, dstv, hist):
    c = lax.axis_index("c")
    s = lax.axis_index("s")
    wid = c * _NS + s
    pltpu.sync_copy(dstf_hbm.at[pl.ds(wid * _EW, _EW)], dstv)
    z16 = jnp.zeros((16,), jnp.float32)

    @pl.loop(0, _NP, step=16)
    def _(i):
        hist[pl.ds(i, 16)] = z16

    ones16 = jnp.ones((16,), jnp.float32)

    @pl.loop(0, _EW, step=16)
    def _(j):
        idx = dstv[pl.ds(j, 16)]
        plsc.addupdate_scatter(hist, [idx], ones16)

    pltpu.sync_copy(hist, out_hbm.at[wid])


_sc_deg = pl.kernel(
    _sc_deg_body,
    out_type=jax.ShapeDtypeStruct((_NW, _NP), jnp.float32),
    mesh=_mesh,
    scratch_types=[
        pltpu.VMEM((_EW,), jnp.int32),
        pltpu.VMEM((_NP,), jnp.float32),
    ],
    compiler_params=_sc_params,
)


_CCAP = _EPT + 256


def _sc_agg_body(g_hbm, pck_hbm, out_hbm, pckc,
                 sa, sb, da, db, rows_a, rows_b, acc, sem_a, sem_b):
    c = lax.axis_index("c")
    s = lax.axis_index("s")
    base = c * _NH
    pltpu.sync_copy(pck_hbm.at[pl.ds(s * _EPT, _EPT)], pckc.at[pl.ds(0, _EPT)])

    z16 = jnp.zeros((16,), jnp.float32)

    @pl.loop(0, _CHE)
    def _(r):
        @pl.loop(0, _H, step=16)
        def _(col):
            rows_a[r, pl.ds(col, 16)] = z16

    pltpu.sync_copy(rows_a, acc.at[pl.ds(s * _ZRT, _CHE)])
    pltpu.sync_copy(rows_a, acc.at[pl.ds(s * _ZRT + _CHE, _CHE)])
    pltpu.sync_copy(rows_a.at[pl.ds(0, _ZRT - 2 * _CHE)],
                    acc.at[pl.ds(s * _ZRT + 2 * _CHE, _ZRT - 2 * _CHE)])

    def _cbody(i, off):
        p = pckc[pl.ds(i * 16, 16)]
        local = (p >> 16) - base
        ok = (local >= 0) & (local < _NH)
        repacked = (p & 0xFFFF) | (local << 16)
        plsc.store_compressed(pckc.at[pl.ds(off, 16)], repacked, mask=ok)
        pc = plsc.all_reduce_population_count(ok)
        return off + jnp.max(pc)

    off = lax.fori_loop(0, _EPT // 16, _cbody, jnp.int32(0))

    offp = ((off + 255) // 256) * 256
    tvec = (_NH + lax.iota(jnp.int32, 16)) << 16
    tmask = jnp.ones((16,), jnp.bool_)

    @pl.loop(0, 16)
    def _(g):
        plsc.store_compressed(pckc.at[pl.ds(off + g * 16, 16)], tvec,
                              mask=tmask)

    plsc.subcore_barrier()

    def _fill(sref, dref, o):
        @pl.loop(0, _CHE, step=16)
        def _(k):
            p = pckc[pl.ds(o + k, 16)]
            sref[pl.ds(k, 16)] = p & 0xFFFF
            dref[pl.ds(k, 16)] = p >> 16

    @pl.when(offp > 0)
    def _():
        _fill(sa, da, 0)
        pltpu.async_copy(g_hbm.at[sa], rows_a, sem_a)

    @pl.loop(0, _CPT // 2)
    def _(t):
        o = t * 256

        @pl.when(o < offp)
        def _():
            _fill(sb, db, o + _CHE)
            cpb = pltpu.async_copy(g_hbm.at[sb], rows_b, sem_b)
            pltpu.make_async_copy(g_hbm.at[sa], rows_a, sem_a).wait()
            pltpu.sync_copy(rows_a, acc.at[da], add=True)

            @pl.when(o + 256 < offp)
            def _():
                _fill(sa, da, o + 256)
                pltpu.async_copy(g_hbm.at[sa], rows_a, sem_a)

            cpb.wait()
            pltpu.sync_copy(rows_b, acc.at[db], add=True)

    plsc.subcore_barrier()
    pltpu.sync_copy(acc.at[pl.ds(s * _DPT, _DPT)],
                    out_hbm.at[c, pl.ds(s * _DPT, _DPT)])


_sc_agg = pl.kernel(
    _sc_agg_body,
    out_type=jax.ShapeDtypeStruct((_NC, _NH, _H), jnp.float32),
    mesh=_mesh,
    scratch_types=[
        pltpu.VMEM((_CCAP,), jnp.int32),
        pltpu.VMEM((_CHE,), jnp.int32),
        pltpu.VMEM((_CHE,), jnp.int32),
        pltpu.VMEM((_CHE,), jnp.int32),
        pltpu.VMEM((_CHE,), jnp.int32),
        pltpu.VMEM((_CHE, _H), jnp.float32),
        pltpu.VMEM((_CHE, _H), jnp.float32),
        pltpu.VMEM_SHARED((_ACC_R, _H), jnp.float32),
        pltpu.SemaphoreType.DMA,
        pltpu.SemaphoreType.DMA,
    ],
    compiler_params=_sc_params,
)


def _agg_edges(g, pck):
    p = _sc_agg(g, pck)
    return p.reshape(_NC * _NH, _H)


_CDIMS = (((1,), (1,)), ((), ()))


def _dinv_from(ht_blk):
    deg = jnp.sum(ht_blk, axis=1, keepdims=True) + 1.0
    return lax.rsqrt(deg)


def _tc1_body(x_ref, ht_ref, w0_ref, b0_ref, w1_ref, h0_ref, g1s_ref):
    dinv = _dinv_from(ht_ref[...])
    h0 = jnp.maximum(
        lax.dot_general(x_ref[...], w0_ref[...], _CDIMS,
                        preferred_element_type=jnp.float32) + b0_ref[...], 0.0)
    h0_ref[...] = h0
    g1 = lax.dot_general(h0, w1_ref[...], _CDIMS,
                         preferred_element_type=jnp.float32)
    g1s_ref[...] = dinv * g1


def _tc2_body(p_ref, g1s_ref, h0_ref, ht_ref, ww_ref, wb_ref, w2_ref,
              m1_ref, g2s_ref):
    dinv = _dinv_from(ht_ref[...])
    agg = dinv * (p_ref[...] + g1s_ref[...])
    h1 = jnp.maximum(
        lax.dot_general(agg, ww_ref[...], _CDIMS,
                        preferred_element_type=jnp.float32) + wb_ref[...], 0.0)
    m1_ref[...] = jnp.maximum(h0_ref[...], h1)
    g2s_ref[...] = dinv * lax.dot_general(h1, w2_ref[...], _CDIMS,
                                          preferred_element_type=jnp.float32)


def _tc3_body(p_ref, g2s_ref, m1_ref, ht_ref, ww_ref, wb_ref, fw_ref, fb_ref,
              ow_ref, ob_ref, out_ref):
    dinv = _dinv_from(ht_ref[...])
    agg = dinv * (p_ref[...] + g2s_ref[...])
    h2 = jnp.maximum(
        lax.dot_general(agg, ww_ref[...], _CDIMS,
                        preferred_element_type=jnp.float32) + wb_ref[...], 0.0)
    m = jnp.maximum(m1_ref[...], h2)
    hf = lax.dot_general(m, fw_ref[...], _CDIMS,
                         preferred_element_type=jnp.float32) + fb_ref[...]
    out_ref[...] = lax.dot_general(hf, ow_ref[...], _CDIMS,
                                   preferred_element_type=jnp.float32) + ob_ref[...]


_B = 5000


def _full(shape):
    return pl.BlockSpec(shape, lambda i: tuple(0 for _ in shape))


def _rows(w):
    return pl.BlockSpec((_B, w), lambda i: (i, 0))


def _tc1(x, histsT, w0, b0, w1):
    return pl.pallas_call(
        _tc1_body,
        grid=(_N // _B,),
        in_specs=[_rows(_D), _rows(_NW), _full((_H, _D)), _full((1, _H)),
                  _full((_H, _H))],
        out_specs=[_rows(_H), _rows(_H)],
        out_shape=[jax.ShapeDtypeStruct((_N, _H), jnp.float32),
                   jax.ShapeDtypeStruct((_N, _H), jnp.float32)],
    )(x, histsT, w0, b0, w1)


def _tc2(p, g1s, h0, histsT, ww, wb, w2):
    return pl.pallas_call(
        _tc2_body,
        grid=(_N // _B,),
        in_specs=[_rows(_H), _rows(_H), _rows(_H), _rows(_NW),
                  _full((_H, _H)), _full((1, _H)), _full((_H, _H))],
        out_specs=[_rows(_H), _rows(_H)],
        out_shape=[jax.ShapeDtypeStruct((_N, _H), jnp.float32),
                   jax.ShapeDtypeStruct((_N, _H), jnp.float32)],
    )(p, g1s, h0, histsT, ww, wb, w2)


def _tc3(p, g2s, m1, histsT, ww, wb, fw, fb, ow, ob):
    return pl.pallas_call(
        _tc3_body,
        grid=(_N // _B,),
        in_specs=[_rows(_H), _rows(_H), _rows(_H), _rows(_NW),
                  _full((_H, _H)), _full((1, _H)), _full((_H, _H)),
                  _full((1, _H)), _full((_C, _H)), _full((1, _C))],
        out_specs=_rows(_C),
        out_shape=jax.ShapeDtypeStruct((_N, _C), jnp.float32),
    )(p, g2s, m1, histsT, ww, wb, fw, fb, ow, ob)


def kernel(x, edge_index, fc0_w, fc0_b, conv_w1, conv_w2, W_w, W_b,
           fcout_w, fcout_b, outlin_w, outlin_b):
    pck = (edge_index[0] | (edge_index[1] << 16)).reshape(_NS, _ET)
    ppad = jnp.full((_NS, _EPT - _ET), 0x3FFF << 16, jnp.int32)
    pckp = jnp.concatenate([pck, ppad], axis=1).reshape(_NS * _EPT)
    dstf = edge_index[1]

    hists = _sc_deg(dstf)
    histsT = hists.T

    h0, g1s = _tc1(x, histsT, fc0_w, fc0_b.reshape(1, _H), conv_w1)
    p1 = _agg_edges(g1s, pckp)
    m1, g2s = _tc2(p1, g1s, h0, histsT, W_w, W_b.reshape(1, _H), conv_w2)
    p2 = _agg_edges(g2s, pckp)
    out = _tc3(p2, g2s, m1, histsT, W_w, W_b.reshape(1, _H),
               fcout_w, fcout_b.reshape(1, _H),
               outlin_w, outlin_b.reshape(1, _C))
    return out

# --- scband reference (transcript-rebuilt; emitter-appended) ---
"""Pipeline reference for scband-indi-gcnwith-jk-1623497638167 (READ-ONLY COPY).

The authoritative reference and input builder live on the scoring server;
editing this copy changes nothing except your own understanding.
"""

import jax, jax.numpy as jnp
import numpy as np

N = 10000
E = 320000
D = 128
H = 128
C = 64


def setup_inputs(seed: int = 0) -> dict:
    key = jax.random.key(seed)
    ks = jax.random.split(key, 12)
    inp = {}
    inp["x"] = jax.random.normal(ks[0], (N, D), dtype=jnp.float32)
    inp["edge_index"] = jax.random.randint(ks[1], (2, E), 0, N, dtype=jnp.int32)
    s = 0.05
    inp["fc0_w"] = jax.random.normal(ks[2], (H, D), dtype=jnp.float32) * s
    inp["fc0_b"] = jnp.zeros((H,), dtype=jnp.float32)
    inp["conv_w1"] = jax.random.normal(ks[3], (H, H), dtype=jnp.float32) * s
    inp["conv_w2"] = jax.random.normal(ks[4], (H, H), dtype=jnp.float32) * s
    inp["W_w"] = jax.random.normal(ks[5], (H, H), dtype=jnp.float32) * s
    inp["W_b"] = jnp.zeros((H,), dtype=jnp.float32)
    inp["fcout_w"] = jax.random.normal(ks[6], (H, H), dtype=jnp.float32) * s
    inp["fcout_b"] = jnp.zeros((H,), dtype=jnp.float32)
    inp["outlin_w"] = jax.random.normal(ks[7], (C, H), dtype=jnp.float32) * s
    inp["outlin_b"] = jnp.zeros((C,), dtype=jnp.float32)
    return inp


def gcn_conv(x, src, dst, norm, Wc, n_nodes):
    # GCNConv(normalize=True, bias=False): linear transform then normalized aggregation
    h = x @ Wc.T
    msg = jnp.take(h, src, axis=0) * norm[:, None]
    out = jax.ops.segment_sum(msg, dst, num_segments=n_nodes)
    return out


def gcn_norm(edge_index, n_nodes):
    # add self loops and compute sym normalization deg^-1/2[src]*deg^-1/2[dst]
    loop = jnp.arange(n_nodes, dtype=edge_index.dtype)
    src = jnp.concatenate([edge_index[0], loop])
    dst = jnp.concatenate([edge_index[1], loop])
    deg = jnp.zeros((n_nodes,), dtype=jnp.float32).at[dst].add(1.0)
    dinv = jnp.where(deg > 0, jax.lax.rsqrt(deg), 0.0)
    norm = dinv[src] * dinv[dst]
    return src, dst, norm


def reference(x, edge_index, fc0_w, fc0_b, conv_w1, conv_w2, W_w, W_b, fcout_w, fcout_b, outlin_w, outlin_b):
    n_nodes = x.shape[0]
    src, dst, norm = gcn_norm(edge_index, n_nodes)
    # input projection (use_bn=False, use_ln=False, eval mode -> no dropout)
    h = x @ fc0_w.T + fc0_b
    h = jax.nn.relu(h)
    layer_outs = [h]
    for Wc in (conv_w1, conv_w2):
        h = gcn_conv(h, src, dst, norm, Wc, n_nodes)
        h = h @ W_w.T + W_b
        h = jax.nn.relu(h)
        layer_outs.append(h)
    # JumpingKnowledge mode='max': elementwise max over layer outputs
    h = jnp.max(jnp.stack(layer_outs, axis=0), axis=0)
    h = h @ fcout_w.T + fcout_b
    out = h @ outlin_w.T + outlin_b
    return out

if __name__ == "__main__":
    import jax
    _d = setup_inputs()
    print(jax.jit(kernel)(*tuple(_d.values())))

</pallas_src>

<mosaic_0001>
#map = affine_map<(d0, d1) -> (0)>
#map1 = affine_map<(d0, d1) -> (0, 0)>
module attributes {stable_mosaic.version = 14 : i64} {
  func.func @_sc_deg_body(%arg0: i32, %arg1: i32, %arg2: memref<320000xi32, #tpu.memory_space<hbm>>, %arg3: memref<32x10240xf32, #tpu.memory_space<hbm>>, %arg4: memref<10000xi32, #tpu.memory_space<vmem>>, %arg5: memref<10240xf32, #tpu.memory_space<vmem>>) attributes {dimension_semantics = [#tpu.dimension_semantics<core_parallel>, #tpu.dimension_semantics<subcore_parallel>], iteration_bounds = array<i64: 2, 16>, scalar_prefetch = 0 : i64, scratch_operands = 2 : i64, tpu.core_type = #tpu.core_type<sc_vector_subcore>, window_params = [{transform_indices = #map}, {transform_indices = #map1}]} {
    %mul3A = arith.constant 16 : i32
    %mul3A_0 = arith.muli %arg0, %mul3A : i32
    %add3A = arith.addi %mul3A_0, %arg1 : i32
    %mul3A_1 = arith.constant 10000 : i32
    %mul3A_2 = arith.muli %add3A, %mul3A_1 : i32
    "tpu.region"() ({
      %run_scoped3A = tpu.sem_alloc : memref<!tpu.dma_semaphore, #tpu.memory_space<semaphore_mem>>
      %dma_start3A = tpu.memref_slice %arg2[%mul3A_2] : memref<320000xi32, #tpu.memory_space<hbm>> -> memref<10000xi32, #tpu.memory_space<hbm>>
      %dma_start3A_15 = tpu.memref_slice %arg2[%mul3A_2] : memref<320000xi32, #tpu.memory_space<hbm>> -> memref<10000xi32, #tpu.memory_space<hbm>>
      tpu.enqueue_dma source(%dma_start3A_15 : memref<10000xi32, #tpu.memory_space<hbm>>) target(%arg4 : memref<10000xi32, #tpu.memory_space<vmem>>) target_semaphore(%run_scoped3A : memref<!tpu.dma_semaphore, #tpu.memory_space<semaphore_mem>>)
      %dma_wait3A = tpu.memref_slice %arg2[%mul3A_2] : memref<320000xi32, #tpu.memory_space<hbm>> -> memref<10000xi32, #tpu.memory_space<hbm>>
      %dma_wait3A_16 = tpu.memref_slice %arg2[%mul3A_2] : memref<320000xi32, #tpu.memory_space<hbm>> -> memref<10000xi32, #tpu.memory_space<hbm>>
      tpu.wait_dma2 semaphore(%run_scoped3A : memref<!tpu.dma_semaphore, #tpu.memory_space<semaphore_mem>>) src(%dma_wait3A_16 : memref<10000xi32, #tpu.memory_space<hbm>>) dst(%arg4 : memref<10000xi32, #tpu.memory_space<vmem>>)
      tpu.yield
    }) : () -> ()
    %broadcast_in_dim3A = arith.constant 0.000000e+00 : f32
    %broadcast_in_dim3A_3 = vector.broadcast %broadcast_in_dim3A : f32 to vector<16xf32>
    %scan3A = arith.constant 0 : i32
    %scan3A_4 = arith.constant 640 : i32
    %scan3A_5 = arith.addi %scan3A, %scan3A_4 : i32
    %scan3A_6 = arith.constant 1 : i32
    scf.for %scan3A_15 = %scan3A to %scan3A_5 step %scan3A_6  : i32 {
      %mul3A_16 = arith.constant 16 : i32
      %mul3A_17 = arith.muli %scan3A_15, %mul3A_16 : i32
      %add3A_18 = arith.constant 0 : i32
      %add3A_19 = arith.addi %add3A_18, %mul3A_17 : i32
      %swap3A = arith.index_cast %add3A_19 : i32 to index
      %swap3A_20 = tpu.vector_load %arg5[%swap3A] {strides = array<i32>} : memref<10240xf32, #tpu.memory_space<vmem>>, vector<16xf32>,
      tpu.vector_store %arg5[%swap3A], %broadcast_in_dim3A_3 {strides = array<i32>} : memref<10240xf32, #tpu.memory_space<vmem>>, vector<16xf32>,
    }
    %scan3A_7 = arith.constant 640 : i32
    %broadcast_in_dim3A_8 = arith.constant 1.000000e+00 : f32
    %broadcast_in_dim3A_9 = vector.broadcast %broadcast_in_dim3A_8 : f32 to vector<16xf32>
    %scan3A_10 = arith.constant 0 : i32
    %scan3A_11 = arith.constant 625 : i32
    %scan3A_12 = arith.addi %scan3A_10, %scan3A_11 : i32
    %scan3A_13 = arith.constant 1 : i32
    scf.for %scan3A_15 = %scan3A_10 to %scan3A_12 step %scan3A_13  : i32 {
      %mul3A_16 = arith.constant 16 : i32
      %mul3A_17 = arith.muli %scan3A_15, %mul3A_16 : i32
      %add3A_18 = arith.constant 0 : i32
      %add3A_19 = arith.addi %add3A_18, %mul3A_17 : i32
      %get3A = arith.index_cast %add3A_19 : i32 to index
      %get3A_20 = tpu.vector_load %arg4[%get3A] {strides = array<i32>} : memref<10000xi32, #tpu.memory_space<vmem>>, vector<16xi32>,
      tpu.vector_store_idx %arg5[%get3A_20], %broadcast_in_dim3A_9 {add = true} : memref<10240xf32, #tpu.memory_space<vmem>>[vector<16xi32>], vector<16xf32>,
    }
    %scan3A_14 = arith.constant 625 : i32
    "tpu.region"() ({
      %run_scoped3A = tpu.sem_alloc : memref<!tpu.dma_semaphore, #tpu.memory_space<semaphore_mem>>
      %dma_start3A = arith.constant 0 : i32
      %dma_start3A_15 = tpu.memref_slice %arg3[%add3A, %dma_start3A] : memref<32x10240xf32, #tpu.memory_space<hbm>> -> memref<1x10240xf32, #tpu.memory_space<hbm>>
      %dma_start3A_16 = tpu.memref_squeeze %dma_start3A_15 : memref<1x10240xf32, #tpu.memory_space<hbm>> -> memref<10240xf32, #tpu.memory_space<hbm>>
      %dma_start3A_17 = arith.constant 0 : i32
      %dma_start3A_18 = tpu.memref_slice %arg3[%add3A, %dma_start3A_17] : memref<32x10240xf32, #tpu.memory_space<hbm>> -> memref<1x10240xf32, #tpu.memory_space<hbm>>
      %dma_start3A_19 = tpu.memref_squeeze %dma_start3A_18 : memref<1x10240xf32, #tpu.memory_space<hbm>> -> memref<10240xf32, #tpu.memory_space<hbm>>
      tpu.enqueue_dma source(%arg5 : memref<10240xf32, #tpu.memory_space<vmem>>) target(%dma_start3A_19 : memref<10240xf32, #tpu.memory_space<hbm>>) target_semaphore(%run_scoped3A : memref<!tpu.dma_semaphore, #tpu.memory_space<semaphore_mem>>)
      %dma_wait3A = arith.constant 0 : i32
      %dma_wait3A_20 = tpu.memref_slice %arg3[%add3A, %dma_wait3A] : memref<32x10240xf32, #tpu.memory_space<hbm>> -> memref<1x10240xf32, #tpu.memory_space<hbm>>
      %dma_wait3A_21 = tpu.memref_squeeze %dma_wait3A_20 : memref<1x10240xf32, #tpu.memory_space<hbm>> -> memref<10240xf32, #tpu.memory_space<hbm>>
      %dma_wait3A_22 = arith.constant 0 : i32
      %dma_wait3A_23 = tpu.memref_slice %arg3[%add3A, %dma_wait3A_22] : memref<32x10240xf32, #tpu.memory_space<hbm>> -> memref<1x10240xf32, #tpu.memory_space<hbm>>
      %dma_wait3A_24 = tpu.memref_squeeze %dma_wait3A_23 : memref<1x10240xf32, #tpu.memory_space<hbm>> -> memref<10240xf32, #tpu.memory_space<hbm>>
      tpu.wait_dma2 semaphore(%run_scoped3A : memref<!tpu.dma_semaphore, #tpu.memory_space<semaphore_mem>>) src(%arg5 : memref<10240xf32, #tpu.memory_space<vmem>>) dst(%dma_wait3A_24 : memref<10240xf32, #tpu.memory_space<hbm>>)
      tpu.yield
    }) : () -> ()
    return
  }
}

#map = affine_map<(d0, d1) -> (0, 0)>
#map1 = affine_map<(d0, d1) -> (0)>
#map2 = affine_map<(d0, d1) -> (0, 0, 0)>
module attributes {stable_mosaic.version = 14 : i64} {
  func.func @_sc_agg_body(%arg0: i32, %arg1: i32, %arg2: memref<10000x128xf32, #tpu.memory_space<hbm>>, %arg3: memref<327680xi32, #tpu.memory_space<hbm>>, %arg4: memref<2x5120x128xf32, #tpu.memory_space<hbm>>, %arg5: memref<20736xi32, #tpu.memory_space<vmem>>, %arg6: memref<128xi32, #tpu.memory_space<vmem>>, %arg7: memref<128xi32, #tpu.memory_space<vmem>>, %arg8: memref<128xi32, #tpu.memory_space<vmem>>, %arg9: memref<128xi32, #tpu.memory_space<vmem>>, %arg10: memref<128x128xf32, #tpu.memory_space<vmem>>, %arg11: memref<128x128xf32, #tpu.memory_space<vmem>>, %arg12: memref<5248x128xf32, #tpu.memory_space<vmem_shared>>, %arg13: memref<!tpu.dma_semaphore, #tpu.memory_space<semaphore_mem>>, %arg14: memref<!tpu.dma_semaphore, #tpu.memory_space<semaphore_mem>>) attributes {dimension_semantics = [#tpu.dimension_semantics<core_parallel>, #tpu.dimension_semantics<subcore_parallel>], iteration_bounds = array<i64: 2, 16>, scalar_prefetch = 0 : i64, scratch_operands = 10 : i64, tpu.core_type = #tpu.core_type<sc_vector_subcore>, window_params = [{transform_indices = #map}, {transform_indices = #map1}, {transform_indices = #map2}]} {
    %mul3A = arith.constant 5120 : i32
    %mul3A_0 = arith.muli %arg0, %mul3A : i32
    %mul3A_1 = arith.constant 20480 : i32
    %mul3A_2 = arith.muli %arg1, %mul3A_1 : i32
    "tpu.region"() ({
      %run_scoped3A = tpu.sem_alloc : memref<!tpu.dma_semaphore, #tpu.memory_space<semaphore_mem>>
      %dma_start3A = arith.constant 0 : i32
      %dma_start3A_68 = tpu.memref_slice %arg5[%dma_start3A] : memref<20736xi32, #tpu.memory_space<vmem>> -> memref<20480xi32, #tpu.memory_space<vmem>>
      %dma_start3A_69 = tpu.memref_slice %arg3[%mul3A_2] : memref<327680xi32, #tpu.memory_space<hbm>> -> memref<20480xi32, #tpu.memory_space<hbm>>
      %dma_start3A_70 = arith.constant 0 : i32
      %dma_start3A_71 = tpu.memref_slice %arg5[%dma_start3A_70] : memref<20736xi32, #tpu.memory_space<vmem>> -> memref<20480xi32, #tpu.memory_space<vmem>>
      %dma_start3A_72 = tpu.memref_slice %arg3[%mul3A_2] : memref<327680xi32, #tpu.memory_space<hbm>> -> memref<20480xi32, #tpu.memory_space<hbm>>
      tpu.enqueue_dma source(%dma_start3A_72 : memref<20480xi32, #tpu.memory_space<hbm>>) target(%dma_start3A_71 : memref<20480xi32, #tpu.memory_space<vmem>>) target_semaphore(%run_scoped3A : memref<!tpu.dma_semaphore, #tpu.memory_space<semaphore_mem>>)
      %dma_wait3A = arith.constant 0 : i32
      %dma_wait3A_73 = tpu.memref_slice %arg5[%dma_wait3A] : memref<20736xi32, #tpu.memory_space<vmem>> -> memref<20480xi32, #tpu.memory_space<vmem>>
      %dma_wait3A_74 = tpu.memref_slice %arg3[%mul3A_2] : memref<327680xi32, #tpu.memory_space<hbm>> -> memref<20480xi32, #tpu.memory_space<hbm>>
      %dma_wait3A_75 = arith.constant 0 : i32
      %dma_wait3A_76 = tpu.memref_slice %arg5[%dma_wait3A_75] : memref<20736xi32, #tpu.memory_space<vmem>> -> memref<20480xi32, #tpu.memory_space<vmem>>
      %dma_wait3A_77 = tpu.memref_slice %arg3[%mul3A_2] : memref<327680xi32, #tpu.memory_space<hbm>> -> memref<20480xi32, #tpu.memory_space<hbm>>
      tpu.wait_dma2 semaphore(%run_scoped3A : memref<!tpu.dma_semaphore, #tpu.memory_space<semaphore_mem>>) src(%dma_wait3A_77 : memref<20480xi32, #tpu.memory_space<hbm>>) dst(%dma_wait3A_76 : memref<20480xi32, #tpu.memory_space<vmem>>)
      tpu.yield
    }) : () -> ()
    %broadcast_in_dim3A = arith.constant 0.000000e+00 : f32
    %broadcast_in_dim3A_3 = vector.broadcast %broadcast_in_dim3A : f32 to vector<16xf32>
    %scan3A = arith.constant 0 : i32
    %scan3A_4 = arith.constant 128 : i32
    %scan3A_5 = arith.addi %scan3A, %scan3A_4 : i32
    %scan3A_6 = arith.constant 1 : i32
    scf.for %scan3A_68 = %scan3A to %scan3A_5 step %scan3A_6  : i32 {
      %mul3A_69 = arith.constant 1 : i32
      %mul3A_70 = arith.muli %scan3A_68, %mul3A_69 : i32
      %add3A_71 = arith.constant 0 : i32
      %add3A_72 = arith.addi %add3A_71, %mul3A_70 : i32
      %scan3A_73 = arith.constant 0 : i32
      %scan3A_74 = arith.constant 8 : i32
      %scan3A_75 = arith.addi %scan3A_73, %scan3A_74 : i32
      %scan3A_76 = arith.constant 1 : i32
      scf.for %scan3A_78 = %scan3A_73 to %scan3A_75 step %scan3A_76  : i32 {
        %mul3A_79 = arith.constant 16 : i32
        %mul3A_80 = arith.muli %scan3A_78, %mul3A_79 : i32
        %add3A_81 = arith.constant 0 : i32
        %add3A_82 = arith.addi %add3A_81, %mul3A_80 : i32
        %swap3A = arith.index_cast %add3A_72 : i32 to index
        %swap3A_83 = arith.index_cast %add3A_82 : i32 to index
        %swap3A_84 = tpu.vector_load %arg10[%swap3A, %swap3A_83] {strides = array<i32>} : memref<128x128xf32, #tpu.memory_space<vmem>>, vector<16xf32>,
        tpu.vector_store %arg10[%swap3A, %swap3A_83], %broadcast_in_dim3A_3 {strides = array<i32>} : memref<128x128xf32, #tpu.memory_space<vmem>>, vector<16xf32>,
      }
      %scan3A_77 = arith.constant 8 : i32
    }
    %scan3A_7 = arith.constant 128 : i32
    %mul3A_8 = arith.constant 328 : i32
    %mul3A_9 = arith.muli %arg1, %mul3A_8 : i32
    "tpu.region"() ({
      %run_scoped3A = tpu.sem_alloc : memref<!tpu.dma_semaphore, #tpu.memory_space<semaphore_mem>>
      %dma_start3A = arith.constant 0 : i32
      %dma_start3A_68 = tpu.memref_slice %arg12[%mul3A_9, %dma_start3A] : memref<5248x128xf32, #tpu.memory_space<vmem_shared>> -> memref<128x128xf32, #tpu.memory_space<vmem_shared>>
      %dma_start3A_69 = arith.constant 0 : i32
      %dma_start3A_70 = tpu.memref_slice %arg12[%mul3A_9, %dma_start3A_69] : memref<5248x128xf32, #tpu.memory_space<vmem_shared>> -> memref<128x128xf32, #tpu.memory_space<vmem_shared>>
      tpu.enqueue_dma source(%arg10 : memref<128x128xf32, #tpu.memory_space<vmem>>) target(%dma_start3A_70 : memref<128x128xf32, #tpu.memory_space<vmem_shared>>) target_semaphore(%run_scoped3A : memref<!tpu.dma_semaphore, #tpu.memory_space<semaphore_mem>>)
      %dma_wait3A = arith.constant 0 : i32
      %dma_wait3A_71 = tpu.memref_slice %arg12[%mul3A_9, %dma_wait3A] : memref<5248x128xf32, #tpu.memory_space<vmem_shared>> -> memref<128x128xf32, #tpu.memory_space<vmem_shared>>
      %dma_wait3A_72 = arith.constant 0 : i32
      %dma_wait3A_73 = tpu.memref_slice %arg12[%mul3A_9, %dma_wait3A_72] : memref<5248x128xf32, #tpu.memory_space<vmem_shared>> -> memref<128x128xf32, #tpu.memory_space<vmem_shared>>
      tpu.wait_dma2 semaphore(%run_scoped3A : memref<!tpu.dma_semaphore, #tpu.memory_space<semaphore_mem>>) src(%arg10 : memref<128x128xf32, #tpu.memory_space<vmem>>) dst(%dma_wait3A_73 : memref<128x128xf32, #tpu.memory_space<vmem_shared>>)
      tpu.yield
    }) : () -> ()
    %mul3A_10 = arith.constant 328 : i32
    %mul3A_11 = arith.muli %arg1, %mul3A_10 : i32
    %add3A = arith.constant 128 : i32
    %add3A_12 = arith.addi %mul3A_11, %add3A : i32
    "tpu.region"() ({
      %run_scoped3A = tpu.sem_alloc : memref<!tpu.dma_semaphore, #tpu.memory_space<semaphore_mem>>
      %dma_start3A = arith.constant 0 : i32
      %dma_start3A_68 = tpu.memref_slice %arg12[%add3A_12, %dma_start3A] : memref<5248x128xf32, #tpu.memory_space<vmem_shared>> -> memref<128x128xf32, #tpu.memory_space<vmem_shared>>
      %dma_start3A_69 = arith.constant 0 : i32
      %dma_start3A_70 = tpu.memref_slice %arg12[%add3A_12, %dma_start3A_69] : memref<5248x128xf32, #tpu.memory_space<vmem_shared>> -> memref<128x128xf32, #tpu.memory_space<vmem_shared>>
      tpu.enqueue_dma source(%arg10 : memref<128x128xf32, #tpu.memory_space<vmem>>) target(%dma_start3A_70 : memref<128x128xf32, #tpu.memory_space<vmem_shared>>) target_semaphore(%run_scoped3A : memref<!tpu.dma_semaphore, #tpu.memory_space<semaphore_mem>>)
      %dma_wait3A = arith.constant 0 : i32
      %dma_wait3A_71 = tpu.memref_slice %arg12[%add3A_12, %dma_wait3A] : memref<5248x128xf32, #tpu.memory_space<vmem_shared>> -> memref<128x128xf32, #tpu.memory_space<vmem_shared>>
      %dma_wait3A_72 = arith.constant 0 : i32
      %dma_wait3A_73 = tpu.memref_slice %arg12[%add3A_12, %dma_wait3A_72] : memref<5248x128xf32, #tpu.memory_space<vmem_shared>> -> memref<128x128xf32, #tpu.memory_space<vmem_shared>>
      tpu.wait_dma2 semaphore(%run_scoped3A : memref<!tpu.dma_semaphore, #tpu.memory_space<semaphore_mem>>) src(%arg10 : memref<128x128xf32, #tpu.memory_space<vmem>>) dst(%dma_wait3A_73 : memref<128x128xf32, #tpu.memory_space<vmem_shared>>)
      tpu.yield
    }) : () -> ()
    %mul3A_13 = arith.constant 328 : i32
    %mul3A_14 = arith.muli %arg1, %mul3A_13 : i32
    %add3A_15 = arith.constant 256 : i32
    %add3A_16 = arith.addi %mul3A_14, %add3A_15 : i32
    "tpu.region"() ({
      %run_scoped3A = tpu.sem_alloc : memref<!tpu.dma_semaphore, #tpu.memory_space<semaphore_mem>>
      %dma_start3A = arith.constant 0 : i32
      %dma_start3A_68 = arith.constant 0 : i32
      %dma_start3A_69 = tpu.memref_slice %arg10[%dma_start3A, %dma_start3A_68] : memref<128x128xf32, #tpu.memory_space<vmem>> -> memref<72x128xf32, #tpu.memory_space<vmem>>
      %dma_start3A_70 = arith.constant 0 : i32
      %dma_start3A_71 = tpu.memref_slice %arg12[%add3A_16, %dma_start3A_70] : memref<5248x128xf32, #tpu.memory_space<vmem_shared>> -> memref<72x128xf32, #tpu.memory_space<vmem_shared>>
      %dma_start3A_72 = arith.constant 0 : i32
      %dma_start3A_73 = tpu.memref_slice %arg12[%add3A_16, %dma_start3A_72] : memref<5248x128xf32, #tpu.memory_space<vmem_shared>> -> memref<72x128xf32, #tpu.memory_space<vmem_shared>>
      %dma_start3A_74 = arith.constant 0 : i32
      %dma_start3A_75 = arith.constant 0 : i32
      %dma_start3A_76 = tpu.memref_slice %arg10[%dma_start3A_74, %dma_start3A_75] : memref<128x128xf32, #tpu.memory_space<vmem>> -> memref<72x128xf32, #tpu.memory_space<vmem>>
      tpu.enqueue_dma source(%dma_start3A_76 : memref<72x128xf32, #tpu.memory_space<vmem>>) target(%dma_start3A_73 : memref<72x128xf32, #tpu.memory_space<vmem_shared>>) target_semaphore(%run_scoped3A : memref<!tpu.dma_semaphore, #tpu.memory_space<semaphore_mem>>)
      %dma_wait3A = arith.constant 0 : i32
      %dma_wait3A_77 = arith.constant 0 : i32
      %dma_wait3A_78 = tpu.memref_slice %arg10[%dma_wait3A, %dma_wait3A_77] : memref<128x128xf32, #tpu.memory_space<vmem>> -> memref<72x128xf32, #tpu.memory_space<vmem>>
      %dma_wait3A_79 = arith.constant 0 : i32
      %dma_wait3A_80 = tpu.memref_slice %arg12[%add3A_16, %dma_wait3A_79] : memref<5248x128xf32, #tpu.memory_space<vmem_shared>> -> memref<72x128xf32, #tpu.memory_space<vmem_shared>>
      %dma_wait3A_81 = arith.constant 0 : i32
      %dma_wait3A_82 = tpu.memref_slice %arg12[%add3A_16, %dma_wait3A_81] : memref<5248x128xf32, #tpu.memory_space<vmem_shared>> -> memref<72x128xf32, #tpu.memory_space<vmem_shared>>
      %dma_wait3A_83 = arith.constant 0 : i32
      %dma_wait3A_84 = arith.constant 0 : i32
      %dma_wait3A_85 = tpu.memref_slice %arg10[%dma_wait3A_83, %dma_wait3A_84] : memref<128x128xf32, #tpu.memory_space<vmem>> -> memref<72x128xf32, #tpu.memory_space<vmem>>
      tpu.wait_dma2 semaphore(%run_scoped3A : memref<!tpu.dma_semaphore, #tpu.memory_space<semaphore_mem>>) src(%dma_wait3A_85 : memref<72x128xf32, #tpu.memory_space<vmem>>) dst(%dma_wait3A_82 : memref<72x128xf32, #tpu.memory_space<vmem_shared>>)
      tpu.yield
    }) : () -> ()
    %scan3A_17 = arith.constant 0 : i32
    %scan3A_18 = arith.constant 0 : i32
    %scan3A_19 = arith.constant 1280 : i32
    %scan3A_20 = arith.addi %scan3A_18, %scan3A_19 : i32
    %scan3A_21 = arith.constant 1 : i32
    %scan3A_22 = scf.for %scan3A_68 = %scan3A_18 to %scan3A_20 step %scan3A_21 iter_args(%scan3A_69 = %scan3A_17) -> (i32)  : i32 {
      %mul3A_70 = arith.constant 16 : i32
      %mul3A_71 = arith.muli %scan3A_68, %mul3A_70 : i32
      %get3A = arith.index_cast %mul3A_71 : i32 to index
      %get3A_72 = tpu.vector_load %arg5[%get3A] {strides = array<i32>} : memref<20736xi32, #tpu.memory_space<vmem>>, vector<16xi32>,
      %shift_right_arithmetic3A = arith.constant 16 : i32
      %shift_right_arithmetic3A_73 = vector.broadcast %shift_right_arithmetic3A : i32 to vector<16xi32>
      %shift_right_arithmetic3A_74 = arith.shrsi %get3A_72, %shift_right_arithmetic3A_73 : vector<16xi32>
      %sub3A_75 = vector.broadcast %mul3A_0 : i32 to vector<16xi32>
      %sub3A_76 = arith.subi %shift_right_arithmetic3A_74, %sub3A_75 : vector<16xi32>
      %ge3A = arith.constant 0 : i32
      %ge3A_77 = vector.broadcast %ge3A : i32 to vector<16xi32>
      %ge3A_78 = arith.cmpi sge, %sub3A_76, %ge3A_77 : vector<16xi32>
      %lt3A = arith.constant 5120 : i32
      %lt3A_79 = vector.broadcast %lt3A : i32 to vector<16xi32>
      %lt3A_80 = arith.cmpi slt, %sub3A_76, %lt3A_79 : vector<16xi32>
      %and3A_81 = arith.andi %ge3A_78, %lt3A_80 : vector<16xi1>
      %and3A_82 = arith.constant 65535 : i32
      %and3A_83 = vector.broadcast %and3A_82 : i32 to vector<16xi32>
      %and3A_84 = arith.andi %get3A_72, %and3A_83 : vector<16xi32>
      %shift_left3A_85 = arith.constant 16 : i32
      %shift_left3A_86 = vector.broadcast %shift_left3A_85 : i32 to vector<16xi32>
      %shift_left3A_87 = arith.shli %sub3A_76, %shift_left3A_86 : vector<16xi32>
      %or3A = arith.ori %and3A_84, %shift_left3A_87 : vector<16xi32>
      %swap3A = arith.index_cast %scan3A_69 : i32 to index
      %swap3A_88 = tpu.vector_load %arg5[%swap3A] masked %and3A_81 {strides = array<i32>} : memref<20736xi32, #tpu.memory_space<vmem>>, vector<16xi32>, vector<16xi1>
      tpu.vector_store %arg5[%swap3A], %or3A masked %and3A_81 {strides = array<i32>} : memref<20736xi32, #tpu.memory_space<vmem>>, vector<16xi32>, vector<16xi1>
      %all_reduce_population_count3A = tpu.all_reduce %and3A_81 {dim = 0 : i64, kind = #tpu.reduction_kind<sum>} : vector<16xi1> -> vector<16xi32>
      %reduce_max3A = arith.constant true
      %reduce_max3A_89 = vector.broadcast %reduce_max3A : i1 to vector<16xi1>
      %reduce_max3A_90 = arith.constant -2147483648 : i32
      %reduce_max3A_91 = vector.broadcast %reduce_max3A_90 : i32 to vector<16xi32>
      %reduce_max3A_92 = arith.xori %all_reduce_population_count3A, %reduce_max3A_91 : vector<16xi32>
      %reduce_max3A_93 = tpu.scan <max>, %reduce_max3A_92 masked %reduce_max3A_89 : vector<16xi32>, vector<16xi1> -> vector<16xi32>
      %reduce_max3A_94 = arith.xori %reduce_max3A_93, %reduce_max3A_91 : vector<16xi32>
      %reduce_max3A_95 = vector.extract %reduce_max3A_94[15] : i32 from vector<16xi32>
      %add3A_96 = arith.addi %scan3A_69, %reduce_max3A_95 : i32
      scf.yield %add3A_96 : i32
    }
    %scan3A_23 = arith.constant 1280 : i32
    %add3A_24 = arith.constant 255 : i32
    %add3A_25 = arith.addi %scan3A_22, %add3A_24 : i32
    %jit3A = arith.constant 256 : i32
    %div3A = arith.divsi %add3A_25, %jit3A : i32
    %sign3A = arith.constant 0 : i32
    %sign3A_26 = arith.cmpi sgt, %add3A_25, %sign3A : i32
    %sign3A_27 = arith.extui %sign3A_26 : i1 to i32
    %sign3A_28 = arith.constant 0 : i32
    %sign3A_29 = arith.cmpi slt, %add3A_25, %sign3A_28 : i32
    %sign3A_30 = arith.extui %sign3A_29 : i1 to i32
    %sign3A_31 = arith.subi %sign3A_27, %sign3A_30 : i32
    %sign3A_32 = arith.constant 0 : i32
    %sign3A_33 = arith.cmpi sgt, %jit3A, %sign3A_32 : i32
    %sign3A_34 = arith.extui %sign3A_33 : i1 to i32
    %sign3A_35 = arith.constant 0 : i32
    %sign3A_36 = arith.cmpi slt, %jit3A, %sign3A_35 : i32
    %sign3A_37 = arith.extui %sign3A_36 : i1 to i32
    %sign3A_38 = arith.subi %sign3A_34, %sign3A_37 : i32
    %ne3A = arith.cmpi ne, %sign3A_31, %sign3A_38 : i32
    %rem3A = arith.remsi %add3A_25, %jit3A : i32
    %ne3A_39 = arith.constant 0 : i32
    %ne3A_40 = arith.cmpi ne, %rem3A, %ne3A_39 : i32
    %and3A = arith.andi %ne3A, %ne3A_40 : i1
    %sub3A = arith.constant 1 : i32
    %sub3A_41 = arith.subi %div3A, %sub3A : i32
    %select_n3A = arith.select %and3A, %sub3A_41, %div3A : i32
    %mul3A_42 = arith.constant 256 : i32
    %mul3A_43 = arith.muli %select_n3A, %mul3A_42 : i32
    %iota3A = tpu.iota {dimensions = array<i32: 0>} : vector<16xi32>
    %add3A_44 = arith.constant 5120 : i32
    %add3A_45 = vector.broadcast %add3A_44 : i32 to vector<16xi32>
    %add3A_46 = arith.addi %add3A_45, %iota3A : vector<16xi32>
    %shift_left3A = arith.constant 16 : i32
    %shift_left3A_47 = vector.broadcast %shift_left3A : i32 to vector<16xi32>
    %shift_left3A_48 = arith.shli %add3A_46, %shift_left3A_47 : vector<16xi32>
    %broadcast_in_dim3A_49 = arith.constant true
    %broadcast_in_dim3A_50 = vector.broadcast %broadcast_in_dim3A_49 : i1 to vector<16xi1>
    %scan3A_51 = arith.constant 0 : i32
    %scan3A_52 = arith.constant 16 : i32
    %scan3A_53 = arith.addi %scan3A_51, %scan3A_52 : i32
    %scan3A_54 = arith.constant 1 : i32
    scf.for %scan3A_68 = %scan3A_51 to %scan3A_53 step %scan3A_54  : i32 {
      %mul3A_69 = arith.constant 1 : i32
      %mul3A_70 = arith.muli %scan3A_68, %mul3A_69 : i32
      %add3A_71 = arith.constant 0 : i32
      %add3A_72 = arith.addi %add3A_71, %mul3A_70 : i32
      %mul3A_73 = arith.constant 16 : i32
      %mul3A_74 = arith.muli %add3A_72, %mul3A_73 : i32
      %add3A_75 = arith.addi %scan3A_22, %mul3A_74 : i32
      %swap3A = arith.index_cast %add3A_75 : i32 to index
      %swap3A_76 = tpu.vector_load %arg5[%swap3A] masked %broadcast_in_dim3A_50 {strides = array<i32>} : memref<20736xi32, #tpu.memory_space<vmem>>, vector<16xi32>, vector<16xi1>
      tpu.vector_store %arg5[%swap3A], %shift_left3A_48 masked %broadcast_in_dim3A_50 {strides = array<i32>} : memref<20736xi32, #tpu.memory_space<vmem>>, vector<16xi32>, vector<16xi1>
    }
    %scan3A_55 = arith.constant 16 : i32
    %barrier3A = arith.constant 0 : index
    tpu.barrier barrier_id(%barrier3A)
    %gt3A = arith.constant 0 : i32
    %gt3A_56 = arith.cmpi sgt, %mul3A_43, %gt3A : i32
    %convert_element_type3A = arith.extui %gt3A_56 : i1 to i32
    %cond3A = arith.constant 0 : i32
    %cond3A_57 = arith.cmpi ne, %convert_element_type3A, %cond3A : i32
    scf.if %cond3A_57 {
      %scan3A_68 = arith.constant 0 : i32
      %scan3A_69 = arith.constant 8 : i32
      %scan3A_70 = arith.addi %scan3A_68, %scan3A_69 : i32
      %scan3A_71 = arith.constant 1 : i32
      scf.for %scan3A_75 = %scan3A_68 to %scan3A_70 step %scan3A_71  : i32 {
        %mul3A_76 = arith.constant 16 : i32
        %mul3A_77 = arith.muli %scan3A_75, %mul3A_76 : i32
        %add3A_78 = arith.constant 0 : i32
        %add3A_79 = arith.addi %add3A_78, %mul3A_77 : i32
        %add3A_80 = arith.constant 0 : i32
        %add3A_81 = arith.addi %add3A_80, %add3A_79 : i32
        %get3A = arith.index_cast %add3A_81 : i32 to index
        %get3A_82 = tpu.vector_load %arg5[%get3A] {strides = array<i32>} : memref<20736xi32, #tpu.memory_space<vmem>>, vector<16xi32>,
        %and3A_83 = arith.constant 65535 : i32
        %and3A_84 = vector.broadcast %and3A_83 : i32 to vector<16xi32>
        %and3A_85 = arith.andi %get3A_82, %and3A_84 : vector<16xi32>
        %swap3A = arith.index_cast %add3A_79 : i32 to index
        %swap3A_86 = tpu.vector_load %arg6[%swap3A] {strides = array<i32>} : memref<128xi32, #tpu.memory_space<vmem>>, vector<16xi32>,
        tpu.vector_store %arg6[%swap3A], %and3A_85 {strides = array<i32>} : memref<128xi32, #tpu.memory_space<vmem>>, vector<16xi32>,
        %shift_right_arithmetic3A = arith.constant 16 : i32
        %shift_right_arithmetic3A_87 = vector.broadcast %shift_right_arithmetic3A : i32 to vector<16xi32>
        %shift_right_arithmetic3A_88 = arith.shrsi %get3A_82, %shift_right_arithmetic3A_87 : vector<16xi32>
        %swap3A_89 = arith.index_cast %add3A_79 : i32 to index
        %swap3A_90 = tpu.vector_load %arg8[%swap3A_89] {strides = array<i32>} : memref<128xi32, #tpu.memory_space<vmem>>, vector<16xi32>,
        tpu.vector_store %arg8[%swap3A_89], %shift_right_arithmetic3A_88 {strides = array<i32>} : memref<128xi32, #tpu.memory_space<vmem>>, vector<16xi32>,
      }
      %scan3A_72 = arith.constant 8 : i32
      %dma_start3A = arith.constant 0 : i32
      %dma_start3A_73 = arith.constant 0 : i32
      %dma_start3A_74 = tpu.memref_slice %arg2[%dma_start3A, %dma_start3A_73] : memref<10000x128xf32, #tpu.memory_space<hbm>> -> memref<10000x128xf32, #tpu.memory_space<hbm>>
      tpu.enqueue_indirect_dma source(%dma_start3A_74 : memref<10000x128xf32, #tpu.memory_space<hbm>>) target(%arg10 : memref<128x128xf32, #tpu.memory_space<vmem>>) offsets(%arg6 : memref<128xi32, #tpu.memory_space<vmem>>) semaphore(%arg13 : memref<!tpu.dma_semaphore, #tpu.memory_space<semaphore_mem>>)
    } else {
    }
    %scan3A_58 = arith.constant 0 : i32
    %scan3A_59 = arith.constant 80 : i32
    %scan3A_60 = arith.addi %scan3A_58, %scan3A_59 : i32
    %scan3A_61 = arith.constant 1 : i32
    scf.for %scan3A_68 = %scan3A_58 to %scan3A_60 step %scan3A_61  : i32 {
      %mul3A_69 = arith.constant 1 : i32
      %mul3A_70 = arith.muli %scan3A_68, %mul3A_69 : i32
      %add3A_71 = arith.constant 0 : i32
      %add3A_72 = arith.addi %add3A_71, %mul3A_70 : i32
      %mul3A_73 = arith.constant 256 : i32
      %mul3A_74 = arith.muli %add3A_72, %mul3A_73 : i32
      %lt3A = arith.cmpi slt, %mul3A_74, %mul3A_43 : i32
      %convert_element_type3A_75 = arith.extui %lt3A : i1 to i32
      %cond3A_76 = arith.constant 0 : i32
      %cond3A_77 = arith.cmpi ne, %convert_element_type3A_75, %cond3A_76 : i32
      scf.if %cond3A_77 {
        %add3A_78 = arith.constant 128 : i32
        %add3A_79 = arith.addi %mul3A_74, %add3A_78 : i32
        %scan3A_80 = arith.constant 0 : i32
        %scan3A_81 = arith.constant 8 : i32
        %scan3A_82 = arith.addi %scan3A_80, %scan3A_81 : i32
        %scan3A_83 = arith.constant 1 : i32
        scf.for %scan3A_98 = %scan3A_80 to %scan3A_82 step %scan3A_83  : i32 {
          %mul3A_99 = arith.constant 16 : i32
          %mul3A_100 = arith.muli %scan3A_98, %mul3A_99 : i32
          %add3A_101 = arith.constant 0 : i32
          %add3A_102 = arith.addi %add3A_101, %mul3A_100 : i32
          %add3A_103 = arith.addi %add3A_79, %add3A_102 : i32
          %get3A = arith.index_cast %add3A_103 : i32 to index
          %get3A_104 = tpu.vector_load %arg5[%get3A] {strides = array<i32>} : memref<20736xi32, #tpu.memory_space<vmem>>, vector<16xi32>,
          %and3A_105 = arith.constant 65535 : i32
          %and3A_106 = vector.broadcast %and3A_105 : i32 to vector<16xi32>
          %and3A_107 = arith.andi %get3A_104, %and3A_106 : vector<16xi32>
          %swap3A = arith.index_cast %add3A_102 : i32 to index
          %swap3A_108 = tpu.vector_load %arg7[%swap3A] {strides = array<i32>} : memref<128xi32, #tpu.memory_space<vmem>>, vector<16xi32>,
          tpu.vector_store %arg7[%swap3A], %and3A_107 {strides = array<i32>} : memref<128xi32, #tpu.memory_space<vmem>>, vector<16xi32>,
          %shift_right_arithmetic3A = arith.constant 16 : i32
          %shift_right_arithmetic3A_109 = vector.broadcast %shift_right_arithmetic3A : i32 to vector<16xi32>
          %shift_right_arithmetic3A_110 = arith.shrsi %get3A_104, %shift_right_arithmetic3A_109 : vector<16xi32>
          %swap3A_111 = arith.index_cast %add3A_102 : i32 to index
          %swap3A_112 = tpu.vector_load %arg9[%swap3A_111] {strides = array<i32>} : memref<128xi32, #tpu.memory_space<vmem>>, vector<16xi32>,
          tpu.vector_store %arg9[%swap3A_111], %shift_right_arithmetic3A_110 {strides = array<i32>} : memref<128xi32, #tpu.memory_space<vmem>>, vector<16xi32>,
        }
        %scan3A_84 = arith.constant 8 : i32
        %dma_start3A = arith.constant 0 : i32
        %dma_start3A_85 = arith.constant 0 : i32
        %dma_start3A_86 = tpu.memref_slice %arg2[%dma_start3A, %dma_start3A_85] : memref<10000x128xf32, #tpu.memory_space<hbm>> -> memref<10000x128xf32, #tpu.memory_space<hbm>>
        tpu.enqueue_indirect_dma source(%dma_start3A_86 : memref<10000x128xf32, #tpu.memory_space<hbm>>) target(%arg11 : memref<128x128xf32, #tpu.memory_space<vmem>>) offsets(%arg7 : memref<128xi32, #tpu.memory_space<vmem>>) semaphore(%arg14 : memref<!tpu.dma_semaphore, #tpu.memory_space<semaphore_mem>>)
        %dma_wait3A = arith.constant 0 : i32
        %dma_wait3A_87 = arith.constant 0 : i32
        %dma_wait3A_88 = tpu.memref_slice %arg2[%dma_wait3A, %dma_wait3A_87] : memref<10000x128xf32, #tpu.memory_space<hbm>> -> memref<10000x128xf32, #tpu.memory_space<hbm>>
        tpu.wait_indirect_dma semaphore(%arg13 : memref<!tpu.dma_semaphore, #tpu.memory_space<semaphore_mem>>) src(%dma_wait3A_88 : memref<10000x128xf32, #tpu.memory_space<hbm>>) dst(%arg10 : memref<128x128xf32, #tpu.memory_space<vmem>>)
        "tpu.region"() ({
          %run_scoped3A = tpu.sem_alloc : memref<!tpu.dma_semaphore, #tpu.memory_space<semaphore_mem>>
          %dma_start3A_98 = arith.constant 0 : i32
          %dma_start3A_99 = arith.constant 0 : i32
          %dma_start3A_100 = tpu.memref_slice %arg12[%dma_start3A_98, %dma_start3A_99] : memref<5248x128xf32, #tpu.memory_space<vmem_shared>> -> memref<5248x128xf32, #tpu.memory_space<vmem_shared>>
          tpu.enqueue_indirect_dma source(%arg10 : memref<128x128xf32, #tpu.memory_space<vmem>>) target(%dma_start3A_100 : memref<5248x128xf32, #tpu.memory_space<vmem_shared>>) offsets(%arg8 : memref<128xi32, #tpu.memory_space<vmem>>) semaphore(%run_scoped3A : memref<!tpu.dma_semaphore, #tpu.memory_space<semaphore_mem>>) {add = true}
          %dma_wait3A_101 = arith.constant 0 : i32
          %dma_wait3A_102 = arith.constant 0 : i32
          %dma_wait3A_103 = tpu.memref_slice %arg12[%dma_wait3A_101, %dma_wait3A_102] : memref<5248x128xf32, #tpu.memory_space<vmem_shared>> -> memref<5248x128xf32, #tpu.memory_space<vmem_shared>>
          tpu.wait_indirect_dma semaphore(%run_scoped3A : memref<!tpu.dma_semaphore, #tpu.memory_space<semaphore_mem>>) src(%arg10 : memref<128x128xf32, #tpu.memory_space<vmem>>) dst(%dma_wait3A_103 : memref<5248x128xf32, #tpu.memory_space<vmem_shared>>)
          tpu.yield
        }) : () -> ()
        %add3A_89 = arith.constant 256 : i32
        %add3A_90 = arith.addi %mul3A_74, %add3A_89 : i32
        %lt3A_91 = arith.cmpi slt, %add3A_90, %mul3A_43 : i32
        %convert_element_type3A_92 = arith.extui %lt3A_91 : i1 to i32
        %cond3A_93 = arith.constant 0 : i32
        %cond3A_94 = arith.cmpi ne, %convert_element_type3A_92, %cond3A_93 : i32
        scf.if %cond3A_94 {
          %add3A_98 = arith.constant 256 : i32
          %add3A_99 = arith.addi %mul3A_74, %add3A_98 : i32
          %scan3A_100 = arith.constant 0 : i32
          %scan3A_101 = arith.constant 8 : i32
          %scan3A_102 = arith.addi %scan3A_100, %scan3A_101 : i32
          %scan3A_103 = arith.constant 1 : i32
          scf.for %scan3A_108 = %scan3A_100 to %scan3A_102 step %scan3A_103  : i32 {
            %mul3A_109 = arith.constant 16 : i32
            %mul3A_110 = arith.muli %scan3A_108, %mul3A_109 : i32
            %add3A_111 = arith.constant 0 : i32
            %add3A_112 = arith.addi %add3A_111, %mul3A_110 : i32
            %add3A_113 = arith.addi %add3A_99, %add3A_112 : i32
            %get3A = arith.index_cast %add3A_113 : i32 to index
            %get3A_114 = tpu.vector_load %arg5[%get3A] {strides = array<i32>} : memref<20736xi32, #tpu.memory_space<vmem>>, vector<16xi32>,
            %and3A_115 = arith.constant 65535 : i32
            %and3A_116 = vector.broadcast %and3A_115 : i32 to vector<16xi32>
            %and3A_117 = arith.andi %get3A_114, %and3A_116 : vector<16xi32>
            %swap3A = arith.index_cast %add3A_112 : i32 to index
            %swap3A_118 = tpu.vector_load %arg6[%swap3A] {strides = array<i32>} : memref<128xi32, #tpu.memory_space<vmem>>, vector<16xi32>,
            tpu.vector_store %arg6[%swap3A], %and3A_117 {strides = array<i32>} : memref<128xi32, #tpu.memory_space<vmem>>, vector<16xi32>,
            %shift_right_arithmetic3A = arith.constant 16 : i32
            %shift_right_arithmetic3A_119 = vector.broadcast %shift_right_arithmetic3A : i32 to vector<16xi32>
            %shift_right_arithmetic3A_120 = arith.shrsi %get3A_114, %shift_right_arithmetic3A_119 : vector<16xi32>
            %swap3A_121 = arith.index_cast %add3A_112 : i32 to index
            %swap3A_122 = tpu.vector_load %arg8[%swap3A_121] {strides = array<i32>} : memref<128xi32, #tpu.memory_space<vmem>>, vector<16xi32>,
            tpu.vector_store %arg8[%swap3A_121], %shift_right_arithmetic3A_120 {strides = array<i32>} : memref<128xi32, #tpu.memory_space<vmem>>, vector<16xi32>,
          }
          %scan3A_104 = arith.constant 8 : i32
          %dma_start3A_105 = arith.constant 0 : i32
          %dma_start3A_106 = arith.constant 0 : i32
          %dma_start3A_107 = tpu.memref_slice %arg2[%dma_start3A_105, %dma_start3A_106] : memref<10000x128xf32, #tpu.memory_space<hbm>> -> memref<10000x128xf32, #tpu.memory_space<hbm>>
          tpu.enqueue_indirect_dma source(%dma_start3A_107 : memref<10000x128xf32, #tpu.memory_space<hbm>>) target(%arg10 : memref<128x128xf32, #tpu.memory_space<vmem>>) offsets(%arg6 : memref<128xi32, #tpu.memory_space<vmem>>) semaphore(%arg13 : memref<!tpu.dma_semaphore, #tpu.memory_space<semaphore_mem>>)
        } else {
        }
        %dma_wait3A_95 = arith.constant 0 : i32
        %dma_wait3A_96 = arith.constant 0 : i32
        %dma_wait3A_97 = tpu.memref_slice %arg2[%dma_wait3A_95, %dma_wait3A_96] : memref<10000x128xf32, #tpu.memory_space<hbm>> -> memref<10000x128xf32, #tpu.memory_space<hbm>>
        tpu.wait_indirect_dma semaphore(%arg14 : memref<!tpu.dma_semaphore, #tpu.memory_space<semaphore_mem>>) src(%dma_wait3A_97 : memref<10000x128xf32, #tpu.memory_space<hbm>>) dst(%arg11 : memref<128x128xf32, #tpu.memory_space<vmem>>)
        "tpu.region"() ({
          %run_scoped3A = tpu.sem_alloc : memref<!tpu.dma_semaphore, #tpu.memory_space<semaphore_mem>>
          %dma_start3A_98 = arith.constant 0 : i32
          %dma_start3A_99 = arith.constant 0 : i32
          %dma_start3A_100 = tpu.memref_slice %arg12[%dma_start3A_98, %dma_start3A_99] : memref<5248x128xf32, #tpu.memory_space<vmem_shared>> -> memref<5248x128xf32, #tpu.memory_space<vmem_shared>>
          tpu.enqueue_indirect_dma source(%arg11 : memref<128x128xf32, #tpu.memory_space<vmem>>) target(%dma_start3A_100 : memref<5248x128xf32, #tpu.memory_space<vmem_shared>>) offsets(%arg9 : memref<128xi32, #tpu.memory_space<vmem>>) semaphore(%run_scoped3A : memref<!tpu.dma_semaphore, #tpu.memory_space<semaphore_mem>>) {add = true}
          %dma_wait3A_101 = arith.constant 0 : i32
          %dma_wait3A_102 = arith.constant 0 : i32
          %dma_wait3A_103 = tpu.memref_slice %arg12[%dma_wait3A_101, %dma_wait3A_102] : memref<5248x128xf32, #tpu.memory_space<vmem_shared>> -> memref<5248x128xf32, #tpu.memory_space<vmem_shared>>
          tpu.wait_indirect_dma semaphore(%run_scoped3A : memref<!tpu.dma_semaphore, #tpu.memory_space<semaphore_mem>>) src(%arg11 : memref<128x128xf32, #tpu.memory_space<vmem>>) dst(%dma_wait3A_103 : memref<5248x128xf32, #tpu.memory_space<vmem_shared>>)
          tpu.yield
        }) : () -> ()
      } else {
      }
    }
    %scan3A_62 = arith.constant 80 : i32
    %barrier3A_63 = arith.constant 0 : index
    tpu.barrier barrier_id(%barrier3A_63)
    %mul3A_64 = arith.constant 320 : i32
    %mul3A_65 = arith.muli %arg1, %mul3A_64 : i32
    %mul3A_66 = arith.constant 320 : i32
    %mul3A_67 = arith.muli %arg1, %mul3A_66 : i32
    "tpu.region"() ({
      %run_scoped3A = tpu.sem_alloc : memref<!tpu.dma_semaphore, #tpu.memory_space<semaphore_mem>>
      %dma_start3A = arith.constant 0 : i32
      %dma_start3A_68 = tpu.memref_slice %arg4[%arg0, %mul3A_67, %dma_start3A] : memref<2x5120x128xf32, #tpu.memory_space<hbm>> -> memref<1x320x128xf32, #tpu.memory_space<hbm>>
      %dma_start3A_69 = tpu.memref_squeeze %dma_start3A_68 : memref<1x320x128xf32, #tpu.memory_space<hbm>> -> memref<320x128xf32, #tpu.memory_space<hbm>>
      %dma_start3A_70 = arith.constant 0 : i32
      %dma_start3A_71 = tpu.memref_slice %arg12[%mul3A_65, %dma_start3A_70] : memref<5248x128xf32, #tpu.memory_space<vmem_shared>> -> memref<320x128xf32, #tpu.memory_space<vmem_shared>>
      tpu.enqueue_dma source(%dma_start3A_71 : memref<320x128xf32, #tpu.memory_space<vmem_shared>>) target(%dma_start3A_69 : memref<320x128xf32, #tpu.memory_space<hbm>>) target_semaphore(%run_scoped3A : memref<!tpu.dma_semaphore, #tpu.memory_space<semaphore_mem>>)
      %dma_wait3A = arith.constant 0 : i32
      %dma_wait3A_72 = tpu.memref_slice %arg4[%arg0, %mul3A_67, %dma_wait3A] : memref<2x5120x128xf32, #tpu.memory_space<hbm>> -> memref<1x320x128xf32, #tpu.memory_space<hbm>>
      %dma_wait3A_73 = tpu.memref_squeeze %dma_wait3A_72 : memref<1x320x128xf32, #tpu.memory_space<hbm>> -> memref<320x128xf32, #tpu.memory_space<hbm>>
      %dma_wait3A_74 = arith.constant 0 : i32
      %dma_wait3A_75 = tpu.memref_slice %arg12[%mul3A_65, %dma_wait3A_74] : memref<5248x128xf32, #tpu.memory_space<vmem_shared>> -> memref<320x128xf32, #tpu.memory_space<vmem_shared>>
      tpu.wait_dma2 semaphore(%run_scoped3A : memref<!tpu.dma_semaphore, #tpu.memory_space<semaphore_mem>>) src(%dma_wait3A_75 : memref<320x128xf32, #tpu.memory_space<vmem_shared>>) dst(%dma_wait3A_73 : memref<320x128xf32, #tpu.memory_space<hbm>>)
      tpu.yield
    }) : () -> ()
    return
  }
}

#map = affine_map<(d0, d1) -> (0, 0)>
#map1 = affine_map<(d0, d1) -> (0)>
#map2 = affine_map<(d0, d1) -> (0, 0, 0)>
module attributes {stable_mosaic.version = 14 : i64} {
  func.func @_sc_agg_body(%arg0: i32, %arg1: i32, %arg2: memref<10000x128xf32, #tpu.memory_space<hbm>>, %arg3: memref<327680xi32, #tpu.memory_space<hbm>>, %arg4: memref<2x5120x128xf32, #tpu.memory_space<hbm>>, %arg5: memref<20736xi32, #tpu.memory_space<vmem>>, %arg6: memref<128xi32, #tpu.memory_space<vmem>>, %arg7: memref<128xi32, #tpu.memory_space<vmem>>, %arg8: memref<128xi32, #tpu.memory_space<vmem>>, %arg9: memref<128xi32, #tpu.memory_space<vmem>>, %arg10: memref<128x128xf32, #tpu.memory_space<vmem>>, %arg11: memref<128x128xf32, #tpu.memory_space<vmem>>, %arg12: memref<5248x128xf32, #tpu.memory_space<vmem_shared>>, %arg13: memref<!tpu.dma_semaphore, #tpu.memory_space<semaphore_mem>>, %arg14: memref<!tpu.dma_semaphore, #tpu.memory_space<semaphore_mem>>) attributes {dimension_semantics = [#tpu.dimension_semantics<core_parallel>, #tpu.dimension_semantics<subcore_parallel>], iteration_bounds = array<i64: 2, 16>, scalar_prefetch = 0 : i64, scratch_operands = 10 : i64, tpu.core_type = #tpu.core_type<sc_vector_subcore>, window_params = [{transform_indices = #map}, {transform_indices = #map1}, {transform_indices = #map2}]} {
    %mul3A = arith.constant 5120 : i32
    %mul3A_0 = arith.muli %arg0, %mul3A : i32
    %mul3A_1 = arith.constant 20480 : i32
    %mul3A_2 = arith.muli %arg1, %mul3A_1 : i32
    "tpu.region"() ({
      %run_scoped3A = tpu.sem_alloc : memref<!tpu.dma_semaphore, #tpu.memory_space<semaphore_mem>>
      %dma_start3A = arith.constant 0 : i32
      %dma_start3A_68 = tpu.memref_slice %arg5[%dma_start3A] : memref<20736xi32, #tpu.memory_space<vmem>> -> memref<20480xi32, #tpu.memory_space<vmem>>
      %dma_start3A_69 = tpu.memref_slice %arg3[%mul3A_2] : memref<327680xi32, #tpu.memory_space<hbm>> -> memref<20480xi32, #tpu.memory_space<hbm>>
      %dma_start3A_70 = arith.constant 0 : i32
      %dma_start3A_71 = tpu.memref_slice %arg5[%dma_start3A_70] : memref<20736xi32, #tpu.memory_space<vmem>> -> memref<20480xi32, #tpu.memory_space<vmem>>
      %dma_start3A_72 = tpu.memref_slice %arg3[%mul3A_2] : memref<327680xi32, #tpu.memory_space<hbm>> -> memref<20480xi32, #tpu.memory_space<hbm>>
      tpu.enqueue_dma source(%dma_start3A_72 : memref<20480xi32, #tpu.memory_space<hbm>>) target(%dma_start3A_71 : memref<20480xi32, #tpu.memory_space<vmem>>) target_semaphore(%run_scoped3A : memref<!tpu.dma_semaphore, #tpu.memory_space<semaphore_mem>>)
      %dma_wait3A = arith.constant 0 : i32
      %dma_wait3A_73 = tpu.memref_slice %arg5[%dma_wait3A] : memref<20736xi32, #tpu.memory_space<vmem>> -> memref<20480xi32, #tpu.memory_space<vmem>>
      %dma_wait3A_74 = tpu.memref_slice %arg3[%mul3A_2] : memref<327680xi32, #tpu.memory_space<hbm>> -> memref<20480xi32, #tpu.memory_space<hbm>>
      %dma_wait3A_75 = arith.constant 0 : i32
      %dma_wait3A_76 = tpu.memref_slice %arg5[%dma_wait3A_75] : memref<20736xi32, #tpu.memory_space<vmem>> -> memref<20480xi32, #tpu.memory_space<vmem>>
      %dma_wait3A_77 = tpu.memref_slice %arg3[%mul3A_2] : memref<327680xi32, #tpu.memory_space<hbm>> -> memref<20480xi32, #tpu.memory_space<hbm>>
      tpu.wait_dma2 semaphore(%run_scoped3A : memref<!tpu.dma_semaphore, #tpu.memory_space<semaphore_mem>>) src(%dma_wait3A_77 : memref<20480xi32, #tpu.memory_space<hbm>>) dst(%dma_wait3A_76 : memref<20480xi32, #tpu.memory_space<vmem>>)
      tpu.yield
    }) : () -> ()
    %broadcast_in_dim3A = arith.constant 0.000000e+00 : f32
    %broadcast_in_dim3A_3 = vector.broadcast %broadcast_in_dim3A : f32 to vector<16xf32>
    %scan3A = arith.constant 0 : i32
    %scan3A_4 = arith.constant 128 : i32
    %scan3A_5 = arith.addi %scan3A, %scan3A_4 : i32
    %scan3A_6 = arith.constant 1 : i32
    scf.for %scan3A_68 = %scan3A to %scan3A_5 step %scan3A_6  : i32 {
      %mul3A_69 = arith.constant 1 : i32
      %mul3A_70 = arith.muli %scan3A_68, %mul3A_69 : i32
      %add3A_71 = arith.constant 0 : i32
      %add3A_72 = arith.addi %add3A_71, %mul3A_70 : i32
      %scan3A_73 = arith.constant 0 : i32
      %scan3A_74 = arith.constant 8 : i32
      %scan3A_75 = arith.addi %scan3A_73, %scan3A_74 : i32
      %scan3A_76 = arith.constant 1 : i32
      scf.for %scan3A_78 = %scan3A_73 to %scan3A_75 step %scan3A_76  : i32 {
        %mul3A_79 = arith.constant 16 : i32
        %mul3A_80 = arith.muli %scan3A_78, %mul3A_79 : i32
        %add3A_81 = arith.constant 0 : i32
        %add3A_82 = arith.addi %add3A_81, %mul3A_80 : i32
        %swap3A = arith.index_cast %add3A_72 : i32 to index
        %swap3A_83 = arith.index_cast %add3A_82 : i32 to index
        %swap3A_84 = tpu.vector_load %arg10[%swap3A, %swap3A_83] {strides = array<i32>} : memref<128x128xf32, #tpu.memory_space<vmem>>, vector<16xf32>,
        tpu.vector_store %arg10[%swap3A, %swap3A_83], %broadcast_in_dim3A_3 {strides = array<i32>} : memref<128x128xf32, #tpu.memory_space<vmem>>, vector<16xf32>,
      }
      %scan3A_77 = arith.constant 8 : i32
    }
    %scan3A_7 = arith.constant 128 : i32
    %mul3A_8 = arith.constant 328 : i32
    %mul3A_9 = arith.muli %arg1, %mul3A_8 : i32
    "tpu.region"() ({
      %run_scoped3A = tpu.sem_alloc : memref<!tpu.dma_semaphore, #tpu.memory_space<semaphore_mem>>
      %dma_start3A = arith.constant 0 : i32
      %dma_start3A_68 = tpu.memref_slice %arg12[%mul3A_9, %dma_start3A] : memref<5248x128xf32, #tpu.memory_space<vmem_shared>> -> memref<128x128xf32, #tpu.memory_space<vmem_shared>>
      %dma_start3A_69 = arith.constant 0 : i32
      %dma_start3A_70 = tpu.memref_slice %arg12[%mul3A_9, %dma_start3A_69] : memref<5248x128xf32, #tpu.memory_space<vmem_shared>> -> memref<128x128xf32, #tpu.memory_space<vmem_shared>>
      tpu.enqueue_dma source(%arg10 : memref<128x128xf32, #tpu.memory_space<vmem>>) target(%dma_start3A_70 : memref<128x128xf32, #tpu.memory_space<vmem_shared>>) target_semaphore(%run_scoped3A : memref<!tpu.dma_semaphore, #tpu.memory_space<semaphore_mem>>)
      %dma_wait3A = arith.constant 0 : i32
      %dma_wait3A_71 = tpu.memref_slice %arg12[%mul3A_9, %dma_wait3A] : memref<5248x128xf32, #tpu.memory_space<vmem_shared>> -> memref<128x128xf32, #tpu.memory_space<vmem_shared>>
      %dma_wait3A_72 = arith.constant 0 : i32
      %dma_wait3A_73 = tpu.memref_slice %arg12[%mul3A_9, %dma_wait3A_72] : memref<5248x128xf32, #tpu.memory_space<vmem_shared>> -> memref<128x128xf32, #tpu.memory_space<vmem_shared>>
      tpu.wait_dma2 semaphore(%run_scoped3A : memref<!tpu.dma_semaphore, #tpu.memory_space<semaphore_mem>>) src(%arg10 : memref<128x128xf32, #tpu.memory_space<vmem>>) dst(%dma_wait3A_73 : memref<128x128xf32, #tpu.memory_space<vmem_shared>>)
      tpu.yield
    }) : () -> ()
    %mul3A_10 = arith.constant 328 : i32
    %mul3A_11 = arith.muli %arg1, %mul3A_10 : i32
    %add3A = arith.constant 128 : i32
    %add3A_12 = arith.addi %mul3A_11, %add3A : i32
    "tpu.region"() ({
      %run_scoped3A = tpu.sem_alloc : memref<!tpu.dma_semaphore, #tpu.memory_space<semaphore_mem>>
      %dma_start3A = arith.constant 0 : i32
      %dma_start3A_68 = tpu.memref_slice %arg12[%add3A_12, %dma_start3A] : memref<5248x128xf32, #tpu.memory_space<vmem_shared>> -> memref<128x128xf32, #tpu.memory_space<vmem_shared>>
      %dma_start3A_69 = arith.constant 0 : i32
      %dma_start3A_70 = tpu.memref_slice %arg12[%add3A_12, %dma_start3A_69] : memref<5248x128xf32, #tpu.memory_space<vmem_shared>> -> memref<128x128xf32, #tpu.memory_space<vmem_shared>>
      tpu.enqueue_dma source(%arg10 : memref<128x128xf32, #tpu.memory_space<vmem>>) target(%dma_start3A_70 : memref<128x128xf32, #tpu.memory_space<vmem_shared>>) target_semaphore(%run_scoped3A : memref<!tpu.dma_semaphore, #tpu.memory_space<semaphore_mem>>)
      %dma_wait3A = arith.constant 0 : i32
      %dma_wait3A_71 = tpu.memref_slice %arg12[%add3A_12, %dma_wait3A] : memref<5248x128xf32, #tpu.memory_space<vmem_shared>> -> memref<128x128xf32, #tpu.memory_space<vmem_shared>>
      %dma_wait3A_72 = arith.constant 0 : i32
      %dma_wait3A_73 = tpu.memref_slice %arg12[%add3A_12, %dma_wait3A_72] : memref<5248x128xf32, #tpu.memory_space<vmem_shared>> -> memref<128x128xf32, #tpu.memory_space<vmem_shared>>
      tpu.wait_dma2 semaphore(%run_scoped3A : memref<!tpu.dma_semaphore, #tpu.memory_space<semaphore_mem>>) src(%arg10 : memref<128x128xf32, #tpu.memory_space<vmem>>) dst(%dma_wait3A_73 : memref<128x128xf32, #tpu.memory_space<vmem_shared>>)
      tpu.yield
    }) : () -> ()
    %mul3A_13 = arith.constant 328 : i32
    %mul3A_14 = arith.muli %arg1, %mul3A_13 : i32
    %add3A_15 = arith.constant 256 : i32
    %add3A_16 = arith.addi %mul3A_14, %add3A_15 : i32
    "tpu.region"() ({
      %run_scoped3A = tpu.sem_alloc : memref<!tpu.dma_semaphore, #tpu.memory_space<semaphore_mem>>
      %dma_start3A = arith.constant 0 : i32
      %dma_start3A_68 = arith.constant 0 : i32
      %dma_start3A_69 = tpu.memref_slice %arg10[%dma_start3A, %dma_start3A_68] : memref<128x128xf32, #tpu.memory_space<vmem>> -> memref<72x128xf32, #tpu.memory_space<vmem>>
      %dma_start3A_70 = arith.constant 0 : i32
      %dma_start3A_71 = tpu.memref_slice %arg12[%add3A_16, %dma_start3A_70] : memref<5248x128xf32, #tpu.memory_space<vmem_shared>> -> memref<72x128xf32, #tpu.memory_space<vmem_shared>>
      %dma_start3A_72 = arith.constant 0 : i32
      %dma_start3A_73 = tpu.memref_slice %arg12[%add3A_16, %dma_start3A_72] : memref<5248x128xf32, #tpu.memory_space<vmem_shared>> -> memref<72x128xf32, #tpu.memory_space<vmem_shared>>
      %dma_start3A_74 = arith.constant 0 : i32
      %dma_start3A_75 = arith.constant 0 : i32
      %dma_start3A_76 = tpu.memref_slice %arg10[%dma_start3A_74, %dma_start3A_75] : memref<128x128xf32, #tpu.memory_space<vmem>> -> memref<72x128xf32, #tpu.memory_space<vmem>>
      tpu.enqueue_dma source(%dma_start3A_76 : memref<72x128xf32, #tpu.memory_space<vmem>>) target(%dma_start3A_73 : memref<72x128xf32, #tpu.memory_space<vmem_shared>>) target_semaphore(%run_scoped3A : memref<!tpu.dma_semaphore, #tpu.memory_space<semaphore_mem>>)
      %dma_wait3A = arith.constant 0 : i32
      %dma_wait3A_77 = arith.constant 0 : i32
      %dma_wait3A_78 = tpu.memref_slice %arg10[%dma_wait3A, %dma_wait3A_77] : memref<128x128xf32, #tpu.memory_space<vmem>> -> memref<72x128xf32, #tpu.memory_space<vmem>>
      %dma_wait3A_79 = arith.constant 0 : i32
      %dma_wait3A_80 = tpu.memref_slice %arg12[%add3A_16, %dma_wait3A_79] : memref<5248x128xf32, #tpu.memory_space<vmem_shared>> -> memref<72x128xf32, #tpu.memory_space<vmem_shared>>
      %dma_wait3A_81 = arith.constant 0 : i32
      %dma_wait3A_82 = tpu.memref_slice %arg12[%add3A_16, %dma_wait3A_81] : memref<5248x128xf32, #tpu.memory_space<vmem_shared>> -> memref<72x128xf32, #tpu.memory_space<vmem_shared>>
      %dma_wait3A_83 = arith.constant 0 : i32
      %dma_wait3A_84 = arith.constant 0 : i32
      %dma_wait3A_85 = tpu.memref_slice %arg10[%dma_wait3A_83, %dma_wait3A_84] : memref<128x128xf32, #tpu.memory_space<vmem>> -> memref<72x128xf32, #tpu.memory_space<vmem>>
      tpu.wait_dma2 semaphore(%run_scoped3A : memref<!tpu.dma_semaphore, #tpu.memory_space<semaphore_mem>>) src(%dma_wait3A_85 : memref<72x128xf32, #tpu.memory_space<vmem>>) dst(%dma_wait3A_82 : memref<72x128xf32, #tpu.memory_space<vmem_shared>>)
      tpu.yield
    }) : () -> ()
    %scan3A_17 = arith.constant 0 : i32
    %scan3A_18 = arith.constant 0 : i32
    %scan3A_19 = arith.constant 1280 : i32
    %scan3A_20 = arith.addi %scan3A_18, %scan3A_19 : i32
    %scan3A_21 = arith.constant 1 : i32
    %scan3A_22 = scf.for %scan3A_68 = %scan3A_18 to %scan3A_20 step %scan3A_21 iter_args(%scan3A_69 = %scan3A_17) -> (i32)  : i32 {
      %mul3A_70 = arith.constant 16 : i32
      %mul3A_71 = arith.muli %scan3A_68, %mul3A_70 : i32
      %get3A = arith.index_cast %mul3A_71 : i32 to index
      %get3A_72 = tpu.vector_load %arg5[%get3A] {strides = array<i32>} : memref<20736xi32, #tpu.memory_space<vmem>>, vector<16xi32>,
      %shift_right_arithmetic3A = arith.constant 16 : i32
      %shift_right_arithmetic3A_73 = vector.broadcast %shift_right_arithmetic3A : i32 to vector<16xi32>
      %shift_right_arithmetic3A_74 = arith.shrsi %get3A_72, %shift_right_arithmetic3A_73 : vector<16xi32>
      %sub3A_75 = vector.broadcast %mul3A_0 : i32 to vector<16xi32>
      %sub3A_76 = arith.subi %shift_right_arithmetic3A_74, %sub3A_75 : vector<16xi32>
      %ge3A = arith.constant 0 : i32
      %ge3A_77 = vector.broadcast %ge3A : i32 to vector<16xi32>
      %ge3A_78 = arith.cmpi sge, %sub3A_76, %ge3A_77 : vector<16xi32>
      %lt3A = arith.constant 5120 : i32
      %lt3A_79 = vector.broadcast %lt3A : i32 to vector<16xi32>
      %lt3A_80 = arith.cmpi slt, %sub3A_76, %lt3A_79 : vector<16xi32>
      %and3A_81 = arith.andi %ge3A_78, %lt3A_80 : vector<16xi1>
      %and3A_82 = arith.constant 65535 : i32
      %and3A_83 = vector.broadcast %and3A_82 : i32 to vector<16xi32>
      %and3A_84 = arith.andi %get3A_72, %and3A_83 : vector<16xi32>
      %shift_left3A_85 = arith.constant 16 : i32
      %shift_left3A_86 = vector.broadcast %shift_left3A_85 : i32 to vector<16xi32>
      %shift_left3A_87 = arith.shli %sub3A_76, %shift_left3A_86 : vector<16xi32>
      %or3A = arith.ori %and3A_84, %shift_left3A_87 : vector<16xi32>
      %swap3A = arith.index_cast %scan3A_69 : i32 to index
      %swap3A_88 = tpu.vector_load %arg5[%swap3A] masked %and3A_81 {strides = array<i32>} : memref<20736xi32, #tpu.memory_space<vmem>>, vector<16xi32>, vector<16xi1>
      tpu.vector_store %arg5[%swap3A], %or3A masked %and3A_81 {strides = array<i32>} : memref<20736xi32, #tpu.memory_space<vmem>>, vector<16xi32>, vector<16xi1>
      %all_reduce_population_count3A = tpu.all_reduce %and3A_81 {dim = 0 : i64, kind = #tpu.reduction_kind<sum>} : vector<16xi1> -> vector<16xi32>
      %reduce_max3A = arith.constant true
      %reduce_max3A_89 = vector.broadcast %reduce_max3A : i1 to vector<16xi1>
      %reduce_max3A_90 = arith.constant -2147483648 : i32
      %reduce_max3A_91 = vector.broadcast %reduce_max3A_90 : i32 to vector<16xi32>
      %reduce_max3A_92 = arith.xori %all_reduce_population_count3A, %reduce_max3A_91 : vector<16xi32>
      %reduce_max3A_93 = tpu.scan <max>, %reduce_max3A_92 masked %reduce_max3A_89 : vector<16xi32>, vector<16xi1> -> vector<16xi32>
      %reduce_max3A_94 = arith.xori %reduce_max3A_93, %reduce_max3A_91 : vector<16xi32>
      %reduce_max3A_95 = vector.extract %reduce_max3A_94[15] : i32 from vector<16xi32>
      %add3A_96 = arith.addi %scan3A_69, %reduce_max3A_95 : i32
      scf.yield %add3A_96 : i32
    }
    %scan3A_23 = arith.constant 1280 : i32
    %add3A_24 = arith.constant 255 : i32
    %add3A_25 = arith.addi %scan3A_22, %add3A_24 : i32
    %jit3A = arith.constant 256 : i32
    %div3A = arith.divsi %add3A_25, %jit3A : i32
    %sign3A = arith.constant 0 : i32
    %sign3A_26 = arith.cmpi sgt, %add3A_25, %sign3A : i32
    %sign3A_27 = arith.extui %sign3A_26 : i1 to i32
    %sign3A_28 = arith.constant 0 : i32
    %sign3A_29 = arith.cmpi slt, %add3A_25, %sign3A_28 : i32
    %sign3A_30 = arith.extui %sign3A_29 : i1 to i32
    %sign3A_31 = arith.subi %sign3A_27, %sign3A_30 : i32
    %sign3A_32 = arith.constant 0 : i32
    %sign3A_33 = arith.cmpi sgt, %jit3A, %sign3A_32 : i32
    %sign3A_34 = arith.extui %sign3A_33 : i1 to i32
    %sign3A_35 = arith.constant 0 : i32
    %sign3A_36 = arith.cmpi slt, %jit3A, %sign3A_35 : i32
    %sign3A_37 = arith.extui %sign3A_36 : i1 to i32
    %sign3A_38 = arith.subi %sign3A_34, %sign3A_37 : i32
    %ne3A = arith.cmpi ne, %sign3A_31, %sign3A_38 : i32
    %rem3A = arith.remsi %add3A_25, %jit3A : i32
    %ne3A_39 = arith.constant 0 : i32
    %ne3A_40 = arith.cmpi ne, %rem3A, %ne3A_39 : i32
    %and3A = arith.andi %ne3A, %ne3A_40 : i1
    %sub3A = arith.constant 1 : i32
    %sub3A_41 = arith.subi %div3A, %sub3A : i32
    %select_n3A = arith.select %and3A, %sub3A_41, %div3A : i32
    %mul3A_42 = arith.constant 256 : i32
    %mul3A_43 = arith.muli %select_n3A, %mul3A_42 : i32
    %iota3A = tpu.iota {dimensions = array<i32: 0>} : vector<16xi32>
    %add3A_44 = arith.constant 5120 : i32
    %add3A_45 = vector.broadcast %add3A_44 : i32 to vector<16xi32>
    %add3A_46 = arith.addi %add3A_45, %iota3A : vector<16xi32>
    %shift_left3A = arith.constant 16 : i32
    %shift_left3A_47 = vector.broadcast %shift_left3A : i32 to vector<16xi32>
    %shift_left3A_48 = arith.shli %add3A_46, %shift_left3A_47 : vector<16xi32>
    %broadcast_in_dim3A_49 = arith.constant true
    %broadcast_in_dim3A_50 = vector.broadcast %broadcast_in_dim3A_49 : i1 to vector<16xi1>
    %scan3A_51 = arith.constant 0 : i32
    %scan3A_52 = arith.constant 16 : i32
    %scan3A_53 = arith.addi %scan3A_51, %scan3A_52 : i32
    %scan3A_54 = arith.constant 1 : i32
    scf.for %scan3A_68 = %scan3A_51 to %scan3A_53 step %scan3A_54  : i32 {
      %mul3A_69 = arith.constant 1 : i32
      %mul3A_70 = arith.muli %scan3A_68, %mul3A_69 : i32
      %add3A_71 = arith.constant 0 : i32
      %add3A_72 = arith.addi %add3A_71, %mul3A_70 : i32
      %mul3A_73 = arith.constant 16 : i32
      %mul3A_74 = arith.muli %add3A_72, %mul3A_73 : i32
      %add3A_75 = arith.addi %scan3A_22, %mul3A_74 : i32
      %swap3A = arith.index_cast %add3A_75 : i32 to index
      %swap3A_76 = tpu.vector_load %arg5[%swap3A] masked %broadcast_in_dim3A_50 {strides = array<i32>} : memref<20736xi32, #tpu.memory_space<vmem>>, vector<16xi32>, vector<16xi1>
      tpu.vector_store %arg5[%swap3A], %shift_left3A_48 masked %broadcast_in_dim3A_50 {strides = array<i32>} : memref<20736xi32, #tpu.memory_space<vmem>>, vector<16xi32>, vector<16xi1>
    }
    %scan3A_55 = arith.constant 16 : i32
    %barrier3A = arith.constant 0 : index
    tpu.barrier barrier_id(%barrier3A)
    %gt3A = arith.constant 0 : i32
    %gt3A_56 = arith.cmpi sgt, %mul3A_43, %gt3A : i32
    %convert_element_type3A = arith.extui %gt3A_56 : i1 to i32
    %cond3A = arith.constant 0 : i32
    %cond3A_57 = arith.cmpi ne, %convert_element_type3A, %cond3A : i32
    scf.if %cond3A_57 {
      %scan3A_68 = arith.constant 0 : i32
      %scan3A_69 = arith.constant 8 : i32
      %scan3A_70 = arith.addi %scan3A_68, %scan3A_69 : i32
      %scan3A_71 = arith.constant 1 : i32
      scf.for %scan3A_75 = %scan3A_68 to %scan3A_70 step %scan3A_71  : i32 {
        %mul3A_76 = arith.constant 16 : i32
        %mul3A_77 = arith.muli %scan3A_75, %mul3A_76 : i32
        %add3A_78 = arith.constant 0 : i32
        %add3A_79 = arith.addi %add3A_78, %mul3A_77 : i32
        %add3A_80 = arith.constant 0 : i32
        %add3A_81 = arith.addi %add3A_80, %add3A_79 : i32
        %get3A = arith.index_cast %add3A_81 : i32 to index
        %get3A_82 = tpu.vector_load %arg5[%get3A] {strides = array<i32>} : memref<20736xi32, #tpu.memory_space<vmem>>, vector<16xi32>,
        %and3A_83 = arith.constant 65535 : i32
        %and3A_84 = vector.broadcast %and3A_83 : i32 to vector<16xi32>
        %and3A_85 = arith.andi %get3A_82, %and3A_84 : vector<16xi32>
        %swap3A = arith.index_cast %add3A_79 : i32 to index
        %swap3A_86 = tpu.vector_load %arg6[%swap3A] {strides = array<i32>} : memref<128xi32, #tpu.memory_space<vmem>>, vector<16xi32>,
        tpu.vector_store %arg6[%swap3A], %and3A_85 {strides = array<i32>} : memref<128xi32, #tpu.memory_space<vmem>>, vector<16xi32>,
        %shift_right_arithmetic3A = arith.constant 16 : i32
        %shift_right_arithmetic3A_87 = vector.broadcast %shift_right_arithmetic3A : i32 to vector<16xi32>
        %shift_right_arithmetic3A_88 = arith.shrsi %get3A_82, %shift_right_arithmetic3A_87 : vector<16xi32>
        %swap3A_89 = arith.index_cast %add3A_79 : i32 to index
        %swap3A_90 = tpu.vector_load %arg8[%swap3A_89] {strides = array<i32>} : memref<128xi32, #tpu.memory_space<vmem>>, vector<16xi32>,
        tpu.vector_store %arg8[%swap3A_89], %shift_right_arithmetic3A_88 {strides = array<i32>} : memref<128xi32, #tpu.memory_space<vmem>>, vector<16xi32>,
      }
      %scan3A_72 = arith.constant 8 : i32
      %dma_start3A = arith.constant 0 : i32
      %dma_start3A_73 = arith.constant 0 : i32
      %dma_start3A_74 = tpu.memref_slice %arg2[%dma_start3A, %dma_start3A_73] : memref<10000x128xf32, #tpu.memory_space<hbm>> -> memref<10000x128xf32, #tpu.memory_space<hbm>>
      tpu.enqueue_indirect_dma source(%dma_start3A_74 : memref<10000x128xf32, #tpu.memory_space<hbm>>) target(%arg10 : memref<128x128xf32, #tpu.memory_space<vmem>>) offsets(%arg6 : memref<128xi32, #tpu.memory_space<vmem>>) semaphore(%arg13 : memref<!tpu.dma_semaphore, #tpu.memory_space<semaphore_mem>>)
    } else {
    }
    %scan3A_58 = arith.constant 0 : i32
    %scan3A_59 = arith.constant 80 : i32
    %scan3A_60 = arith.addi %scan3A_58, %scan3A_59 : i32
    %scan3A_61 = arith.constant 1 : i32
    scf.for %scan3A_68 = %scan3A_58 to %scan3A_60 step %scan3A_61  : i32 {
      %mul3A_69 = arith.constant 1 : i32
      %mul3A_70 = arith.muli %scan3A_68, %mul3A_69 : i32
      %add3A_71 = arith.constant 0 : i32
      %add3A_72 = arith.addi %add3A_71, %mul3A_70 : i32
      %mul3A_73 = arith.constant 256 : i32
      %mul3A_74 = arith.muli %add3A_72, %mul3A_73 : i32
      %lt3A = arith.cmpi slt, %mul3A_74, %mul3A_43 : i32
      %convert_element_type3A_75 = arith.extui %lt3A : i1 to i32
      %cond3A_76 = arith.constant 0 : i32
      %cond3A_77 = arith.cmpi ne, %convert_element_type3A_75, %cond3A_76 : i32
      scf.if %cond3A_77 {
        %add3A_78 = arith.constant 128 : i32
        %add3A_79 = arith.addi %mul3A_74, %add3A_78 : i32
        %scan3A_80 = arith.constant 0 : i32
        %scan3A_81 = arith.constant 8 : i32
        %scan3A_82 = arith.addi %scan3A_80, %scan3A_81 : i32
        %scan3A_83 = arith.constant 1 : i32
        scf.for %scan3A_98 = %scan3A_80 to %scan3A_82 step %scan3A_83  : i32 {
          %mul3A_99 = arith.constant 16 : i32
          %mul3A_100 = arith.muli %scan3A_98, %mul3A_99 : i32
          %add3A_101 = arith.constant 0 : i32
          %add3A_102 = arith.addi %add3A_101, %mul3A_100 : i32
          %add3A_103 = arith.addi %add3A_79, %add3A_102 : i32
          %get3A = arith.index_cast %add3A_103 : i32 to index
          %get3A_104 = tpu.vector_load %arg5[%get3A] {strides = array<i32>} : memref<20736xi32, #tpu.memory_space<vmem>>, vector<16xi32>,
          %and3A_105 = arith.constant 65535 : i32
          %and3A_106 = vector.broadcast %and3A_105 : i32 to vector<16xi32>
          %and3A_107 = arith.andi %get3A_104, %and3A_106 : vector<16xi32>
          %swap3A = arith.index_cast %add3A_102 : i32 to index
          %swap3A_108 = tpu.vector_load %arg7[%swap3A] {strides = array<i32>} : memref<128xi32, #tpu.memory_space<vmem>>, vector<16xi32>,
          tpu.vector_store %arg7[%swap3A], %and3A_107 {strides = array<i32>} : memref<128xi32, #tpu.memory_space<vmem>>, vector<16xi32>,
          %shift_right_arithmetic3A = arith.constant 16 : i32
          %shift_right_arithmetic3A_109 = vector.broadcast %shift_right_arithmetic3A : i32 to vector<16xi32>
          %shift_right_arithmetic3A_110 = arith.shrsi %get3A_104, %shift_right_arithmetic3A_109 : vector<16xi32>
          %swap3A_111 = arith.index_cast %add3A_102 : i32 to index
          %swap3A_112 = tpu.vector_load %arg9[%swap3A_111] {strides = array<i32>} : memref<128xi32, #tpu.memory_space<vmem>>, vector<16xi32>,
          tpu.vector_store %arg9[%swap3A_111], %shift_right_arithmetic3A_110 {strides = array<i32>} : memref<128xi32, #tpu.memory_space<vmem>>, vector<16xi32>,
        }
        %scan3A_84 = arith.constant 8 : i32
        %dma_start3A = arith.constant 0 : i32
        %dma_start3A_85 = arith.constant 0 : i32
        %dma_start3A_86 = tpu.memref_slice %arg2[%dma_start3A, %dma_start3A_85] : memref<10000x128xf32, #tpu.memory_space<hbm>> -> memref<10000x128xf32, #tpu.memory_space<hbm>>
        tpu.enqueue_indirect_dma source(%dma_start3A_86 : memref<10000x128xf32, #tpu.memory_space<hbm>>) target(%arg11 : memref<128x128xf32, #tpu.memory_space<vmem>>) offsets(%arg7 : memref<128xi32, #tpu.memory_space<vmem>>) semaphore(%arg14 : memref<!tpu.dma_semaphore, #tpu.memory_space<semaphore_mem>>)
        %dma_wait3A = arith.constant 0 : i32
        %dma_wait3A_87 = arith.constant 0 : i32
        %dma_wait3A_88 = tpu.memref_slice %arg2[%dma_wait3A, %dma_wait3A_87] : memref<10000x128xf32, #tpu.memory_space<hbm>> -> memref<10000x128xf32, #tpu.memory_space<hbm>>
        tpu.wait_indirect_dma semaphore(%arg13 : memref<!tpu.dma_semaphore, #tpu.memory_space<semaphore_mem>>) src(%dma_wait3A_88 : memref<10000x128xf32, #tpu.memory_space<hbm>>) dst(%arg10 : memref<128x128xf32, #tpu.memory_space<vmem>>)
        "tpu.region"() ({
          %run_scoped3A = tpu.sem_alloc : memref<!tpu.dma_semaphore, #tpu.memory_space<semaphore_mem>>
          %dma_start3A_98 = arith.constant 0 : i32
          %dma_start3A_99 = arith.constant 0 : i32
          %dma_start3A_100 = tpu.memref_slice %arg12[%dma_start3A_98, %dma_start3A_99] : memref<5248x128xf32, #tpu.memory_space<vmem_shared>> -> memref<5248x128xf32, #tpu.memory_space<vmem_shared>>
          tpu.enqueue_indirect_dma source(%arg10 : memref<128x128xf32, #tpu.memory_space<vmem>>) target(%dma_start3A_100 : memref<5248x128xf32, #tpu.memory_space<vmem_shared>>) offsets(%arg8 : memref<128xi32, #tpu.memory_space<vmem>>) semaphore(%run_scoped3A : memref<!tpu.dma_semaphore, #tpu.memory_space<semaphore_mem>>) {add = true}
          %dma_wait3A_101 = arith.constant 0 : i32
          %dma_wait3A_102 = arith.constant 0 : i32
          %dma_wait3A_103 = tpu.memref_slice %arg12[%dma_wait3A_101, %dma_wait3A_102] : memref<5248x128xf32, #tpu.memory_space<vmem_shared>> -> memref<5248x128xf32, #tpu.memory_space<vmem_shared>>
          tpu.wait_indirect_dma semaphore(%run_scoped3A : memref<!tpu.dma_semaphore, #tpu.memory_space<semaphore_mem>>) src(%arg10 : memref<128x128xf32, #tpu.memory_space<vmem>>) dst(%dma_wait3A_103 : memref<5248x128xf32, #tpu.memory_space<vmem_shared>>)
          tpu.yield
        }) : () -> ()
        %add3A_89 = arith.constant 256 : i32
        %add3A_90 = arith.addi %mul3A_74, %add3A_89 : i32
        %lt3A_91 = arith.cmpi slt, %add3A_90, %mul3A_43 : i32
        %convert_element_type3A_92 = arith.extui %lt3A_91 : i1 to i32
        %cond3A_93 = arith.constant 0 : i32
        %cond3A_94 = arith.cmpi ne, %convert_element_type3A_92, %cond3A_93 : i32
        scf.if %cond3A_94 {
          %add3A_98 = arith.constant 256 : i32
          %add3A_99 = arith.addi %mul3A_74, %add3A_98 : i32
          %scan3A_100 = arith.constant 0 : i32
          %scan3A_101 = arith.constant 8 : i32
          %scan3A_102 = arith.addi %scan3A_100, %scan3A_101 : i32
          %scan3A_103 = arith.constant 1 : i32
          scf.for %scan3A_108 = %scan3A_100 to %scan3A_102 step %scan3A_103  : i32 {
            %mul3A_109 = arith.constant 16 : i32
            %mul3A_110 = arith.muli %scan3A_108, %mul3A_109 : i32
            %add3A_111 = arith.constant 0 : i32
            %add3A_112 = arith.addi %add3A_111, %mul3A_110 : i32
            %add3A_113 = arith.addi %add3A_99, %add3A_112 : i32
            %get3A = arith.index_cast %add3A_113 : i32 to index
            %get3A_114 = tpu.vector_load %arg5[%get3A] {strides = array<i32>} : memref<20736xi32, #tpu.memory_space<vmem>>, vector<16xi32>,
            %and3A_115 = arith.constant 65535 : i32
            %and3A_116 = vector.broadcast %and3A_115 : i32 to vector<16xi32>
            %and3A_117 = arith.andi %get3A_114, %and3A_116 : vector<16xi32>
            %swap3A = arith.index_cast %add3A_112 : i32 to index
            %swap3A_118 = tpu.vector_load %arg6[%swap3A] {strides = array<i32>} : memref<128xi32, #tpu.memory_space<vmem>>, vector<16xi32>,
            tpu.vector_store %arg6[%swap3A], %and3A_117 {strides = array<i32>} : memref<128xi32, #tpu.memory_space<vmem>>, vector<16xi32>,
            %shift_right_arithmetic3A = arith.constant 16 : i32
            %shift_right_arithmetic3A_119 = vector.broadcast %shift_right_arithmetic3A : i32 to vector<16xi32>
            %shift_right_arithmetic3A_120 = arith.shrsi %get3A_114, %shift_right_arithmetic3A_119 : vector<16xi32>
            %swap3A_121 = arith.index_cast %add3A_112 : i32 to index
            %swap3A_122 = tpu.vector_load %arg8[%swap3A_121] {strides = array<i32>} : memref<128xi32, #tpu.memory_space<vmem>>, vector<16xi32>,
            tpu.vector_store %arg8[%swap3A_121], %shift_right_arithmetic3A_120 {strides = array<i32>} : memref<128xi32, #tpu.memory_space<vmem>>, vector<16xi32>,
          }
          %scan3A_104 = arith.constant 8 : i32
          %dma_start3A_105 = arith.constant 0 : i32
          %dma_start3A_106 = arith.constant 0 : i32
          %dma_start3A_107 = tpu.memref_slice %arg2[%dma_start3A_105, %dma_start3A_106] : memref<10000x128xf32, #tpu.memory_space<hbm>> -> memref<10000x128xf32, #tpu.memory_space<hbm>>
          tpu.enqueue_indirect_dma source(%dma_start3A_107 : memref<10000x128xf32, #tpu.memory_space<hbm>>) target(%arg10 : memref<128x128xf32, #tpu.memory_space<vmem>>) offsets(%arg6 : memref<128xi32, #tpu.memory_space<vmem>>) semaphore(%arg13 : memref<!tpu.dma_semaphore, #tpu.memory_space<semaphore_mem>>)
        } else {
        }
        %dma_wait3A_95 = arith.constant 0 : i32
        %dma_wait3A_96 = arith.constant 0 : i32
        %dma_wait3A_97 = tpu.memref_slice %arg2[%dma_wait3A_95, %dma_wait3A_96] : memref<10000x128xf32, #tpu.memory_space<hbm>> -> memref<10000x128xf32, #tpu.memory_space<hbm>>
        tpu.wait_indirect_dma semaphore(%arg14 : memref<!tpu.dma_semaphore, #tpu.memory_space<semaphore_mem>>) src(%dma_wait3A_97 : memref<10000x128xf32, #tpu.memory_space<hbm>>) dst(%arg11 : memref<128x128xf32, #tpu.memory_space<vmem>>)
        "tpu.region"() ({
          %run_scoped3A = tpu.sem_alloc : memref<!tpu.dma_semaphore, #tpu.memory_space<semaphore_mem>>
          %dma_start3A_98 = arith.constant 0 : i32
          %dma_start3A_99 = arith.constant 0 : i32
          %dma_start3A_100 = tpu.memref_slice %arg12[%dma_start3A_98, %dma_start3A_99] : memref<5248x128xf32, #tpu.memory_space<vmem_shared>> -> memref<5248x128xf32, #tpu.memory_space<vmem_shared>>
          tpu.enqueue_indirect_dma source(%arg11 : memref<128x128xf32, #tpu.memory_space<vmem>>) target(%dma_start3A_100 : memref<5248x128xf32, #tpu.memory_space<vmem_shared>>) offsets(%arg9 : memref<128xi32, #tpu.memory_space<vmem>>) semaphore(%run_scoped3A : memref<!tpu.dma_semaphore, #tpu.memory_space<semaphore_mem>>) {add = true}
          %dma_wait3A_101 = arith.constant 0 : i32
          %dma_wait3A_102 = arith.constant 0 : i32
          %dma_wait3A_103 = tpu.memref_slice %arg12[%dma_wait3A_101, %dma_wait3A_102] : memref<5248x128xf32, #tpu.memory_space<vmem_shared>> -> memref<5248x128xf32, #tpu.memory_space<vmem_shared>>
          tpu.wait_indirect_dma semaphore(%run_scoped3A : memref<!tpu.dma_semaphore, #tpu.memory_space<semaphore_mem>>) src(%arg11 : memref<128x128xf32, #tpu.memory_space<vmem>>) dst(%dma_wait3A_103 : memref<5248x128xf32, #tpu.memory_space<vmem_shared>>)
          tpu.yield
        }) : () -> ()
      } else {
      }
    }
    %scan3A_62 = arith.constant 80 : i32
    %barrier3A_63 = arith.constant 0 : index
    tpu.barrier barrier_id(%barrier3A_63)
    %mul3A_64 = arith.constant 320 : i32
    %mul3A_65 = arith.muli %arg1, %mul3A_64 : i32
    %mul3A_66 = arith.constant 320 : i32
    %mul3A_67 = arith.muli %arg1, %mul3A_66 : i32
    "tpu.region"() ({
      %run_scoped3A = tpu.sem_alloc : memref<!tpu.dma_semaphore, #tpu.memory_space<semaphore_mem>>
      %dma_start3A = arith.constant 0 : i32
      %dma_start3A_68 = tpu.memref_slice %arg4[%arg0, %mul3A_67, %dma_start3A] : memref<2x5120x128xf32, #tpu.memory_space<hbm>> -> memref<1x320x128xf32, #tpu.memory_space<hbm>>
      %dma_start3A_69 = tpu.memref_squeeze %dma_start3A_68 : memref<1x320x128xf32, #tpu.memory_space<hbm>> -> memref<320x128xf32, #tpu.memory_space<hbm>>
      %dma_start3A_70 = arith.constant 0 : i32
      %dma_start3A_71 = tpu.memref_slice %arg12[%mul3A_65, %dma_start3A_70] : memref<5248x128xf32, #tpu.memory_space<vmem_shared>> -> memref<320x128xf32, #tpu.memory_space<vmem_shared>>
      tpu.enqueue_dma source(%dma_start3A_71 : memref<320x128xf32, #tpu.memory_space<vmem_shared>>) target(%dma_start3A_69 : memref<320x128xf32, #tpu.memory_space<hbm>>) target_semaphore(%run_scoped3A : memref<!tpu.dma_semaphore, #tpu.memory_space<semaphore_mem>>)
      %dma_wait3A = arith.constant 0 : i32
      %dma_wait3A_72 = tpu.memref_slice %arg4[%arg0, %mul3A_67, %dma_wait3A] : memref<2x5120x128xf32, #tpu.memory_space<hbm>> -> memref<1x320x128xf32, #tpu.memory_space<hbm>>
      %dma_wait3A_73 = tpu.memref_squeeze %dma_wait3A_72 : memref<1x320x128xf32, #tpu.memory_space<hbm>> -> memref<320x128xf32, #tpu.memory_space<hbm>>
      %dma_wait3A_74 = arith.constant 0 : i32
      %dma_wait3A_75 = tpu.memref_slice %arg12[%mul3A_65, %dma_wait3A_74] : memref<5248x128xf32, #tpu.memory_space<vmem_shared>> -> memref<320x128xf32, #tpu.memory_space<vmem_shared>>
      tpu.wait_dma2 semaphore(%run_scoped3A : memref<!tpu.dma_semaphore, #tpu.memory_space<semaphore_mem>>) src(%dma_wait3A_75 : memref<320x128xf32, #tpu.memory_space<vmem_shared>>) dst(%dma_wait3A_73 : memref<320x128xf32, #tpu.memory_space<hbm>>)
      tpu.yield
    }) : () -> ()
    return
  }
}

module attributes {stable_mosaic.version = 14 : i64} {
  func.func @_tc1_body(%arg0: i32, %arg1: memref<5000x128xf32, #tpu.memory_space<vmem>>, %arg2: memref<5000x32xf32, #tpu.memory_space<vmem>>, %arg3: memref<128x128xf32, #tpu.memory_space<vmem>>, %arg4: memref<1x128xf32, #tpu.memory_space<vmem>>, %arg5: memref<128x128xf32, #tpu.memory_space<vmem>>, %arg6: memref<5000x128xf32, #tpu.memory_space<vmem>>, %arg7: memref<5000x128xf32, #tpu.memory_space<vmem>>) attributes {dimension_semantics = [#tpu.dimension_semantics<arbitrary>], iteration_bounds = array<i64: 2>, scalar_prefetch = 0 : i64, scratch_operands = 0 : i64, tpu.core_type = #tpu.core_type<tc>, window_params = [{transform_indices = @transform_0, window_bounds = array<i64: 5000, 128>}, {transform_indices = @transform_1, window_bounds = array<i64: 5000, 32>}, {pipeline_mode = #tpu.pipeline_mode<synchronous>, transform_indices = @transform_2, window_bounds = array<i64: 128, 128>}, {pipeline_mode = #tpu.pipeline_mode<synchronous>, transform_indices = @transform_3, window_bounds = array<i64: 1, 128>}, {pipeline_mode = #tpu.pipeline_mode<synchronous>, transform_indices = @transform_4, window_bounds = array<i64: 128, 128>}, {transform_indices = @transform_5, window_bounds = array<i64: 5000, 128>}, {transform_indices = @transform_6, window_bounds = array<i64: 5000, 128>}]} {
    %get3A = arith.constant 0 : index
    %get3A_0 = arith.constant 0 : index
    %get3A_1 = vector.load %arg2[%get3A, %get3A_0] : memref<5000x32xf32, #tpu.memory_space<vmem>>, vector<5000x32xf32>
    %reduce_sum3A = arith.constant dense<0.000000e+00> : vector<5000xf32>
    %reduce_sum3A_2 = vector.multi_reduction <add>, %get3A_1, %reduce_sum3A [1] : vector<5000x32xf32> to vector<5000xf32>
    %broadcast_in_dim3A = vector.shape_cast %reduce_sum3A_2 : vector<5000xf32> to vector<5000x1xf32>
    %add3A = arith.constant 1.000000e+00 : f32
    %add3A_3 = vector.broadcast %add3A : f32 to vector<5000x1xf32>
    %add3A_4 = arith.addf %broadcast_in_dim3A, %add3A_3 : vector<5000x1xf32>
    %rsqrt3A = math.rsqrt %add3A_4 : vector<5000x1xf32>
    %get3A_5 = arith.constant 0 : index
    %get3A_6 = arith.constant 0 : index
    %get3A_7 = vector.load %arg1[%get3A_5, %get3A_6] : memref<5000x128xf32, #tpu.memory_space<vmem>>, vector<5000x128xf32>
    %get3A_8 = arith.constant 0 : index
    %get3A_9 = arith.constant 0 : index
    %get3A_10 = vector.load %arg3[%get3A_8, %get3A_9] : memref<128x128xf32, #tpu.memory_space<vmem>>, vector<128x128xf32>
    %dot_general3A = arith.constant dense<0.000000e+00> : vector<5000x128xf32>
    %dot_general3A_11 = tpu.matmul %get3A_7, %get3A_10, %dot_general3A {dimension_numbers = #tpu.dot_dimension_numbers<[1], [1], [0], [0], [0, 0, 1, 0], [], []>, transpose_lhs_hint = false} : vector<5000x128xf32>, vector<128x128xf32>, vector<5000x128xf32> -> vector<5000x128xf32>
    %get3A_12 = arith.constant 0 : index
    %get3A_13 = arith.constant 0 : index
    %get3A_14 = vector.load %arg4[%get3A_12, %get3A_13] : memref<1x128xf32, #tpu.memory_space<vmem>>, vector<1x128xf32>
    %add3A_15 = vector.broadcast %get3A_14 : vector<1x128xf32> to vector<5000x128xf32>
    %add3A_16 = arith.addf %dot_general3A_11, %add3A_15 : vector<5000x128xf32>
    %max3A = arith.constant 0.000000e+00 : f32
    %max3A_17 = vector.broadcast %max3A : f32 to vector<5000x128xf32>
    %max3A_18 = arith.maximumf %add3A_16, %max3A_17 : vector<5000x128xf32>
    %swap3A = arith.constant 0 : index
    %swap3A_19 = arith.constant 0 : index
    %swap3A_20 = vector.load %arg6[%swap3A, %swap3A_19] : memref<5000x128xf32, #tpu.memory_space<vmem>>, vector<5000x128xf32>
    tpu.vector_store %arg6[%swap3A, %swap3A_19], %max3A_18 {strides = array<i32>} : memref<5000x128xf32, #tpu.memory_space<vmem>>, vector<5000x128xf32>,
    %get3A_21 = arith.constant 0 : index
    %get3A_22 = arith.constant 0 : index
    %get3A_23 = vector.load %arg5[%get3A_21, %get3A_22] : memref<128x128xf32, #tpu.memory_space<vmem>>, vector<128x128xf32>
    %dot_general3A_24 = arith.constant dense<0.000000e+00> : vector<5000x128xf32>
    %dot_general3A_25 = tpu.matmul %max3A_18, %get3A_23, %dot_general3A_24 {dimension_numbers = #tpu.dot_dimension_numbers<[1], [1], [0], [0], [0, 0, 1, 0], [], []>, transpose_lhs_hint = false} : vector<5000x128xf32>, vector<128x128xf32>, vector<5000x128xf32> -> vector<5000x128xf32>
    %mul3A = vector.broadcast %rsqrt3A : vector<5000x1xf32> to vector<5000x128xf32>
    %mul3A_26 = arith.mulf %mul3A, %dot_general3A_25 : vector<5000x128xf32>
    %swap3A_27 = arith.constant 0 : index
    %swap3A_28 = arith.constant 0 : index
    %swap3A_29 = vector.load %arg7[%swap3A_27, %swap3A_28] : memref<5000x128xf32, #tpu.memory_space<vmem>>, vector<5000x128xf32>
    tpu.vector_store %arg7[%swap3A_27, %swap3A_28], %mul3A_26 {strides = array<i32>} : memref<5000x128xf32, #tpu.memory_space<vmem>>, vector<5000x128xf32>,
    return
  }
  func.func @transform_0(%arg0: i32) -> (i32, i32) {
    %c0_i32 = arith.constant 0 : i32
    %c0_i32_0 = arith.constant 0 : i32
    return %arg0, %c0_i32 : i32, i32
  }
  func.func @transform_1(%arg0: i32) -> (i32, i32) {
    %c0_i32 = arith.constant 0 : i32
    %c0_i32_0 = arith.constant 0 : i32
    return %arg0, %c0_i32 : i32, i32
  }
  func.func @transform_2(%arg0: i32) -> (i32, i32) {
    %c0_i32 = arith.constant 0 : i32
    %c0_i32_0 = arith.constant 0 : i32
    %c0_i32_1 = arith.constant 0 : i32
    return %c0_i32, %c0_i32_0 : i32, i32
  }
  func.func @transform_3(%arg0: i32) -> (i32, i32) {
    %c0_i32 = arith.constant 0 : i32
    %c0_i32_0 = arith.constant 0 : i32
    %c0_i32_1 = arith.constant 0 : i32
    return %c0_i32, %c0_i32_0 : i32, i32
  }
  func.func @transform_4(%arg0: i32) -> (i32, i32) {
    %c0_i32 = arith.constant 0 : i32
    %c0_i32_0 = arith.constant 0 : i32
    %c0_i32_1 = arith.constant 0 : i32
    return %c0_i32, %c0_i32_0 : i32, i32
  }
  func.func @transform_5(%arg0: i32) -> (i32, i32) {
    %c0_i32 = arith.constant 0 : i32
    %c0_i32_0 = arith.constant 0 : i32
    return %arg0, %c0_i32 : i32, i32
  }
  func.func @transform_6(%arg0: i32) -> (i32, i32) {
    %c0_i32 = arith.constant 0 : i32
    %c0_i32_0 = arith.constant 0 : i32
    return %arg0, %c0_i32 : i32, i32
  }
}

module attributes {stable_mosaic.version = 14 : i64} {
  func.func @_tc2_body(%arg0: i32, %arg1: memref<5000x128xf32, #tpu.memory_space<vmem>>, %arg2: memref<5000x128xf32, #tpu.memory_space<vmem>>, %arg3: memref<5000x128xf32, #tpu.memory_space<vmem>>, %arg4: memref<5000x32xf32, #tpu.memory_space<vmem>>, %arg5: memref<128x128xf32, #tpu.memory_space<vmem>>, %arg6: memref<1x128xf32, #tpu.memory_space<vmem>>, %arg7: memref<128x128xf32, #tpu.memory_space<vmem>>, %arg8: memref<5000x128xf32, #tpu.memory_space<vmem>>, %arg9: memref<5000x128xf32, #tpu.memory_space<vmem>>) attributes {dimension_semantics = [#tpu.dimension_semantics<arbitrary>], iteration_bounds = array<i64: 2>, scalar_prefetch = 0 : i64, scratch_operands = 0 : i64, tpu.core_type = #tpu.core_type<tc>, window_params = [{transform_indices = @transform_0, window_bounds = array<i64: 5000, 128>}, {transform_indices = @transform_1, window_bounds = array<i64: 5000, 128>}, {transform_indices = @transform_2, window_bounds = array<i64: 5000, 128>}, {transform_indices = @transform_3, window_bounds = array<i64: 5000, 32>}, {pipeline_mode = #tpu.pipeline_mode<synchronous>, transform_indices = @transform_4, window_bounds = array<i64: 128, 128>}, {pipeline_mode = #tpu.pipeline_mode<synchronous>, transform_indices = @transform_5, window_bounds = array<i64: 1, 128>}, {pipeline_mode = #tpu.pipeline_mode<synchronous>, transform_indices = @transform_6, window_bounds = array<i64: 128, 128>}, {transform_indices = @transform_7, window_bounds = array<i64: 5000, 128>}, {transform_indices = @transform_8, window_bounds = array<i64: 5000, 128>}]} {
    %get3A = arith.constant 0 : index
    %get3A_0 = arith.constant 0 : index
    %get3A_1 = vector.load %arg4[%get3A, %get3A_0] : memref<5000x32xf32, #tpu.memory_space<vmem>>, vector<5000x32xf32>
    %reduce_sum3A = arith.constant dense<0.000000e+00> : vector<5000xf32>
    %reduce_sum3A_2 = vector.multi_reduction <add>, %get3A_1, %reduce_sum3A [1] : vector<5000x32xf32> to vector<5000xf32>
    %broadcast_in_dim3A = vector.shape_cast %reduce_sum3A_2 : vector<5000xf32> to vector<5000x1xf32>
    %add3A = arith.constant 1.000000e+00 : f32
    %add3A_3 = vector.broadcast %add3A : f32 to vector<5000x1xf32>
    %add3A_4 = arith.addf %broadcast_in_dim3A, %add3A_3 : vector<5000x1xf32>
    %rsqrt3A = math.rsqrt %add3A_4 : vector<5000x1xf32>
    %get3A_5 = arith.constant 0 : index
    %get3A_6 = arith.constant 0 : index
    %get3A_7 = vector.load %arg1[%get3A_5, %get3A_6] : memref<5000x128xf32, #tpu.memory_space<vmem>>, vector<5000x128xf32>
    %get3A_8 = arith.constant 0 : index
    %get3A_9 = arith.constant 0 : index
    %get3A_10 = vector.load %arg2[%get3A_8, %get3A_9] : memref<5000x128xf32, #tpu.memory_space<vmem>>, vector<5000x128xf32>
    %add3A_11 = arith.addf %get3A_7, %get3A_10 : vector<5000x128xf32>
    %mul3A = vector.broadcast %rsqrt3A : vector<5000x1xf32> to vector<5000x128xf32>
    %mul3A_12 = arith.mulf %mul3A, %add3A_11 : vector<5000x128xf32>
    %get3A_13 = arith.constant 0 : index
    %get3A_14 = arith.constant 0 : index
    %get3A_15 = vector.load %arg5[%get3A_13, %get3A_14] : memref<128x128xf32, #tpu.memory_space<vmem>>, vector<128x128xf32>
    %dot_general3A = arith.constant dense<0.000000e+00> : vector<5000x128xf32>
    %dot_general3A_16 = tpu.matmul %mul3A_12, %get3A_15, %dot_general3A {dimension_numbers = #tpu.dot_dimension_numbers<[1], [1], [0], [0], [0, 0, 1, 0], [], []>, transpose_lhs_hint = false} : vector<5000x128xf32>, vector<128x128xf32>, vector<5000x128xf32> -> vector<5000x128xf32>
    %get3A_17 = arith.constant 0 : index
    %get3A_18 = arith.constant 0 : index
    %get3A_19 = vector.load %arg6[%get3A_17, %get3A_18] : memref<1x128xf32, #tpu.memory_space<vmem>>, vector<1x128xf32>
    %add3A_20 = vector.broadcast %get3A_19 : vector<1x128xf32> to vector<5000x128xf32>
    %add3A_21 = arith.addf %dot_general3A_16, %add3A_20 : vector<5000x128xf32>
    %max3A = arith.constant 0.000000e+00 : f32
    %max3A_22 = vector.broadcast %max3A : f32 to vector<5000x128xf32>
    %max3A_23 = arith.maximumf %add3A_21, %max3A_22 : vector<5000x128xf32>
    %get3A_24 = arith.constant 0 : index
    %get3A_25 = arith.constant 0 : index
    %get3A_26 = vector.load %arg3[%get3A_24, %get3A_25] : memref<5000x128xf32, #tpu.memory_space<vmem>>, vector<5000x128xf32>
    %max3A_27 = arith.maximumf %get3A_26, %max3A_23 : vector<5000x128xf32>
    %swap3A = arith.constant 0 : index
    %swap3A_28 = arith.constant 0 : index
    %swap3A_29 = vector.load %arg8[%swap3A, %swap3A_28] : memref<5000x128xf32, #tpu.memory_space<vmem>>, vector<5000x128xf32>
    tpu.vector_store %arg8[%swap3A, %swap3A_28], %max3A_27 {strides = array<i32>} : memref<5000x128xf32, #tpu.memory_space<vmem>>, vector<5000x128xf32>,
    %get3A_30 = arith.constant 0 : index
    %get3A_31 = arith.constant 0 : index
    %get3A_32 = vector.load %arg7[%get3A_30, %get3A_31] : memref<128x128xf32, #tpu.memory_space<vmem>>, vector<128x128xf32>
    %dot_general3A_33 = arith.constant dense<0.000000e+00> : vector<5000x128xf32>
    %dot_general3A_34 = tpu.matmul %max3A_23, %get3A_32, %dot_general3A_33 {dimension_numbers = #tpu.dot_dimension_numbers<[1], [1], [0], [0], [0, 0, 1, 0], [], []>, transpose_lhs_hint = false} : vector<5000x128xf32>, vector<128x128xf32>, vector<5000x128xf32> -> vector<5000x128xf32>
    %mul3A_35 = vector.broadcast %rsqrt3A : vector<5000x1xf32> to vector<5000x128xf32>
    %mul3A_36 = arith.mulf %mul3A_35, %dot_general3A_34 : vector<5000x128xf32>
    %swap3A_37 = arith.constant 0 : index
    %swap3A_38 = arith.constant 0 : index
    %swap3A_39 = vector.load %arg9[%swap3A_37, %swap3A_38] : memref<5000x128xf32, #tpu.memory_space<vmem>>, vector<5000x128xf32>
    tpu.vector_store %arg9[%swap3A_37, %swap3A_38], %mul3A_36 {strides = array<i32>} : memref<5000x128xf32, #tpu.memory_space<vmem>>, vector<5000x128xf32>,
    return
  }
  func.func @transform_0(%arg0: i32) -> (i32, i32) {
    %c0_i32 = arith.constant 0 : i32
    %c0_i32_0 = arith.constant 0 : i32
    return %arg0, %c0_i32 : i32, i32
  }
  func.func @transform_1(%arg0: i32) -> (i32, i32) {
    %c0_i32 = arith.constant 0 : i32
    %c0_i32_0 = arith.constant 0 : i32
    return %arg0, %c0_i32 : i32, i32
  }
  func.func @transform_2(%arg0: i32) -> (i32, i32) {
    %c0_i32 = arith.constant 0 : i32
    %c0_i32_0 = arith.constant 0 : i32
    return %arg0, %c0_i32 : i32, i32
  }
  func.func @transform_3(%arg0: i32) -> (i32, i32) {
    %c0_i32 = arith.constant 0 : i32
    %c0_i32_0 = arith.constant 0 : i32
    return %arg0, %c0_i32 : i32, i32
  }
  func.func @transform_4(%arg0: i32) -> (i32, i32) {
    %c0_i32 = arith.constant 0 : i32
    %c0_i32_0 = arith.constant 0 : i32
    %c0_i32_1 = arith.constant 0 : i32
    return %c0_i32, %c0_i32_0 : i32, i32
  }
  func.func @transform_5(%arg0: i32) -> (i32, i32) {
    %c0_i32 = arith.constant 0 : i32
    %c0_i32_0 = arith.constant 0 : i32
    %c0_i32_1 = arith.constant 0 : i32
    return %c0_i32, %c0_i32_0 : i32, i32
  }
  func.func @transform_6(%arg0: i32) -> (i32, i32) {
    %c0_i32 = arith.constant 0 : i32
    %c0_i32_0 = arith.constant 0 : i32
    %c0_i32_1 = arith.constant 0 : i32
    return %c0_i32, %c0_i32_0 : i32, i32
  }
  func.func @transform_7(%arg0: i32) -> (i32, i32) {
    %c0_i32 = arith.constant 0 : i32
    %c0_i32_0 = arith.constant 0 : i32
    return %arg0, %c0_i32 : i32, i32
  }
  func.func @transform_8(%arg0: i32) -> (i32, i32) {
    %c0_i32 = arith.constant 0 : i32
    %c0_i32_0 = arith.constant 0 : i32
    return %arg0, %c0_i32 : i32, i32
  }
}

module attributes {stable_mosaic.version = 14 : i64} {
  func.func @_tc3_body(%arg0: i32, %arg1: memref<5000x128xf32, #tpu.memory_space<vmem>>, %arg2: memref<5000x128xf32, #tpu.memory_space<vmem>>, %arg3: memref<5000x128xf32, #tpu.memory_space<vmem>>, %arg4: memref<5000x32xf32, #tpu.memory_space<vmem>>, %arg5: memref<128x128xf32, #tpu.memory_space<vmem>>, %arg6: memref<1x128xf32, #tpu.memory_space<vmem>>, %arg7: memref<128x128xf32, #tpu.memory_space<vmem>>, %arg8: memref<1x128xf32, #tpu.memory_space<vmem>>, %arg9: memref<64x128xf32, #tpu.memory_space<vmem>>, %arg10: memref<1x64xf32, #tpu.memory_space<vmem>>, %arg11: memref<5000x64xf32, #tpu.memory_space<vmem>>) attributes {dimension_semantics = [#tpu.dimension_semantics<arbitrary>], iteration_bounds = array<i64: 2>, scalar_prefetch = 0 : i64, scratch_operands = 0 : i64, tpu.core_type = #tpu.core_type<tc>, window_params = [{transform_indices = @transform_0, window_bounds = array<i64: 5000, 128>}, {transform_indices = @transform_1, window_bounds = array<i64: 5000, 128>}, {transform_indices = @transform_2, window_bounds = array<i64: 5000, 128>}, {transform_indices = @transform_3, window_bounds = array<i64: 5000, 32>}, {pipeline_mode = #tpu.pipeline_mode<synchronous>, transform_indices = @transform_4, window_bounds = array<i64: 128, 128>}, {pipeline_mode = #tpu.pipeline_mode<synchronous>, transform_indices = @transform_5, window_bounds = array<i64: 1, 128>}, {pipeline_mode = #tpu.pipeline_mode<synchronous>, transform_indices = @transform_6, window_bounds = array<i64: 128, 128>}, {pipeline_mode = #tpu.pipeline_mode<synchronous>, transform_indices = @transform_7, window_bounds = array<i64: 1, 128>}, {pipeline_mode = #tpu.pipeline_mode<synchronous>, transform_indices = @transform_8, window_bounds = array<i64: 64, 128>}, {pipeline_mode = #tpu.pipeline_mode<synchronous>, transform_indices = @transform_9, window_bounds = array<i64: 1, 64>}, {transform_indices = @transform_10, window_bounds = array<i64: 5000, 64>}]} {
    %get3A = arith.constant 0 : index
    %get3A_0 = arith.constant 0 : index
    %get3A_1 = vector.load %arg4[%get3A, %get3A_0] : memref<5000x32xf32, #tpu.memory_space<vmem>>, vector<5000x32xf32>
    %reduce_sum3A = arith.constant dense<0.000000e+00> : vector<5000xf32>
    %reduce_sum3A_2 = vector.multi_reduction <add>, %get3A_1, %reduce_sum3A [1] : vector<5000x32xf32> to vector<5000xf32>
    %broadcast_in_dim3A = vector.shape_cast %reduce_sum3A_2 : vector<5000xf32> to vector<5000x1xf32>
    %add3A = arith.constant 1.000000e+00 : f32
    %add3A_3 = vector.broadcast %add3A : f32 to vector<5000x1xf32>
    %add3A_4 = arith.addf %broadcast_in_dim3A, %add3A_3 : vector<5000x1xf32>
    %rsqrt3A = math.rsqrt %add3A_4 : vector<5000x1xf32>
    %get3A_5 = arith.constant 0 : index
    %get3A_6 = arith.constant 0 : index
    %get3A_7 = vector.load %arg1[%get3A_5, %get3A_6] : memref<5000x128xf32, #tpu.memory_space<vmem>>, vector<5000x128xf32>
    %get3A_8 = arith.constant 0 : index
    %get3A_9 = arith.constant 0 : index
    %get3A_10 = vector.load %arg2[%get3A_8, %get3A_9] : memref<5000x128xf32, #tpu.memory_space<vmem>>, vector<5000x128xf32>
    %add3A_11 = arith.addf %get3A_7, %get3A_10 : vector<5000x128xf32>
    %mul3A = vector.broadcast %rsqrt3A : vector<5000x1xf32> to vector<5000x128xf32>
    %mul3A_12 = arith.mulf %mul3A, %add3A_11 : vector<5000x128xf32>
    %get3A_13 = arith.constant 0 : index
    %get3A_14 = arith.constant 0 : index
    %get3A_15 = vector.load %arg5[%get3A_13, %get3A_14] : memref<128x128xf32, #tpu.memory_space<vmem>>, vector<128x128xf32>
    %dot_general3A = arith.constant dense<0.000000e+00> : vector<5000x128xf32>
    %dot_general3A_16 = tpu.matmul %mul3A_12, %get3A_15, %dot_general3A {dimension_numbers = #tpu.dot_dimension_numbers<[1], [1], [0], [0], [0, 0, 1, 0], [], []>, transpose_lhs_hint = false} : vector<5000x128xf32>, vector<128x128xf32>, vector<5000x128xf32> -> vector<5000x128xf32>
    %get3A_17 = arith.constant 0 : index
    %get3A_18 = arith.constant 0 : index
    %get3A_19 = vector.load %arg6[%get3A_17, %get3A_18] : memref<1x128xf32, #tpu.memory_space<vmem>>, vector<1x128xf32>
    %add3A_20 = vector.broadcast %get3A_19 : vector<1x128xf32> to vector<5000x128xf32>
    %add3A_21 = arith.addf %dot_general3A_16, %add3A_20 : vector<5000x128xf32>
    %max3A = arith.constant 0.000000e+00 : f32
    %max3A_22 = vector.broadcast %max3A : f32 to vector<5000x128xf32>
    %max3A_23 = arith.maximumf %add3A_21, %max3A_22 : vector<5000x128xf32>
    %get3A_24 = arith.constant 0 : index
    %get3A_25 = arith.constant 0 : index
    %get3A_26 = vector.load %arg3[%get3A_24, %get3A_25] : memref<5000x128xf32, #tpu.memory_space<vmem>>, vector<5000x128xf32>
    %max3A_27 = arith.maximumf %get3A_26, %max3A_23 : vector<5000x128xf32>
    %get3A_28 = arith.constant 0 : index
    %get3A_29 = arith.constant 0 : index
    %get3A_30 = vector.load %arg7[%get3A_28, %get3A_29] : memref<128x128xf32, #tpu.memory_space<vmem>>, vector<128x128xf32>
    %dot_general3A_31 = arith.constant dense<0.000000e+00> : vector<5000x128xf32>
    %dot_general3A_32 = tpu.matmul %max3A_27, %get3A_30, %dot_general3A_31 {dimension_numbers = #tpu.dot_dimension_numbers<[1], [1], [0], [0], [0, 0, 1, 0], [], []>, transpose_lhs_hint = false} : vector<5000x128xf32>, vector<128x128xf32>, vector<5000x128xf32> -> vector<5000x128xf32>
    %get3A_33 = arith.constant 0 : index
    %get3A_34 = arith.constant 0 : index
    %get3A_35 = vector.load %arg8[%get3A_33, %get3A_34] : memref<1x128xf32, #tpu.memory_space<vmem>>, vector<1x128xf32>
    %add3A_36 = vector.broadcast %get3A_35 : vector<1x128xf32> to vector<5000x128xf32>
    %add3A_37 = arith.addf %dot_general3A_32, %add3A_36 : vector<5000x128xf32>
    %get3A_38 = arith.constant 0 : index
    %get3A_39 = arith.constant 0 : index
    %get3A_40 = vector.load %arg9[%get3A_38, %get3A_39] : memref<64x128xf32, #tpu.memory_space<vmem>>, vector<64x128xf32>
    %dot_general3A_41 = arith.constant dense<0.000000e+00> : vector<5000x64xf32>
    %dot_general3A_42 = tpu.matmul %add3A_37, %get3A_40, %dot_general3A_41 {dimension_numbers = #tpu.dot_dimension_numbers<[1], [1], [0], [0], [0, 0, 1, 0], [], []>, transpose_lhs_hint = false} : vector<5000x128xf32>, vector<64x128xf32>, vector<5000x64xf32> -> vector<5000x64xf32>
    %get3A_43 = arith.constant 0 : index
    %get3A_44 = arith.constant 0 : index
    %get3A_45 = vector.load %arg10[%get3A_43, %get3A_44] : memref<1x64xf32, #tpu.memory_space<vmem>>, vector<1x64xf32>
    %add3A_46 = vector.broadcast %get3A_45 : vector<1x64xf32> to vector<5000x64xf32>
    %add3A_47 = arith.addf %dot_general3A_42, %add3A_46 : vector<5000x64xf32>
    %swap3A = arith.constant 0 : index
    %swap3A_48 = arith.constant 0 : index
    %swap3A_49 = vector.load %arg11[%swap3A, %swap3A_48] : memref<5000x64xf32, #tpu.memory_space<vmem>>, vector<5000x64xf32>
    tpu.vector_store %arg11[%swap3A, %swap3A_48], %add3A_47 {strides = array<i32>} : memref<5000x64xf32, #tpu.memory_space<vmem>>, vector<5000x64xf32>,
    return
  }
  func.func @transform_0(%arg0: i32) -> (i32, i32) {
    %c0_i32 = arith.constant 0 : i32
    %c0_i32_0 = arith.constant 0 : i32
    return %arg0, %c0_i32 : i32, i32
  }
  func.func @transform_1(%arg0: i32) -> (i32, i32) {
    %c0_i32 = arith.constant 0 : i32
    %c0_i32_0 = arith.constant 0 : i32
    return %arg0, %c0_i32 : i32, i32
  }
  func.func @transform_2(%arg0: i32) -> (i32, i32) {
    %c0_i32 = arith.constant 0 : i32
    %c0_i32_0 = arith.constant 0 : i32
    return %arg0, %c0_i32 : i32, i32
  }
  func.func @transform_3(%arg0: i32) -> (i32, i32) {
    %c0_i32 = arith.constant 0 : i32
    %c0_i32_0 = arith.constant 0 : i32
    return %arg0, %c0_i32 : i32, i32
  }
  func.func @transform_4(%arg0: i32) -> (i32, i32) {
    %c0_i32 = arith.constant 0 : i32
    %c0_i32_0 = arith.constant 0 : i32
    %c0_i32_1 = arith.constant 0 : i32
    return %c0_i32, %c0_i32_0 : i32, i32
  }
  func.func @transform_5(%arg0: i32) -> (i32, i32) {
    %c0_i32 = arith.constant 0 : i32
    %c0_i32_0 = arith.constant 0 : i32
    %c0_i32_1 = arith.constant 0 : i32
    return %c0_i32, %c0_i32_0 : i32, i32
  }
  func.func @transform_6(%arg0: i32) -> (i32, i32) {
    %c0_i32 = arith.constant 0 : i32
    %c0_i32_0 = arith.constant 0 : i32
    %c0_i32_1 = arith.constant 0 : i32
    return %c0_i32, %c0_i32_0 : i32, i32
  }
  func.func @transform_7(%arg0: i32) -> (i32, i32) {
    %c0_i32 = arith.constant 0 : i32
    %c0_i32_0 = arith.constant 0 : i32
    %c0_i32_1 = arith.constant 0 : i32
    return %c0_i32, %c0_i32_0 : i32, i32
  }
  func.func @transform_8(%arg0: i32) -> (i32, i32) {
    %c0_i32 = arith.constant 0 : i32
    %c0_i32_0 = arith.constant 0 : i32
    %c0_i32_1 = arith.constant 0 : i32
    return %c0_i32, %c0_i32_0 : i32, i32
  }
  func.func @transform_9(%arg0: i32) -> (i32, i32) {
    %c0_i32 = arith.constant 0 : i32
    %c0_i32_0 = arith.constant 0 : i32
    %c0_i32_1 = arith.constant 0 : i32
    return %c0_i32, %c0_i32_0 : i32, i32
  }
  func.func @transform_10(%arg0: i32) -> (i32, i32) {
    %c0_i32 = arith.constant 0 : i32
    %c0_i32_0 = arith.constant 0 : i32
    return %arg0, %c0_i32 : i32, i32
  }
}

</mosaic_0001>

<sc_bundles>
// kernel: kernel.11.cloned.1.call-start
scs
__scs_entry_jumppad:
0x0: {  	(pc) =	sbr.rel $0x88, $3  }
0x1: {  	(tag) =	ssettag $0x0;
	lr =	simm.s32 $0x1  }
0x2: {  	[smem:$0x3F95] =	sst lr;
	_ =	strace $0xD0000000  }
0x3: {  	_ = 	snop  }
0x4: {  	_ = 	snop  }
0x5: {  	_ = 	snop  }
0x6: {  	_ = 	snop  }
0x7: {  	_ = 	snop  }
__scs_overlays_trampoline_lowered:
0x8: {  	[smem:$0x3FA4] =	sst s0  }
0x9: {  	[smem:$0x3FA5] =	sst s1  }
0xa: {  	[smem:$0x3FA6] =	sst s2  }
0xb: {  	[smem:$0x3FA7] =	sst s3  }
0xc: {  	[smem:$0x3FA8] =	sst s4  }
0xd: {  	[smem:$0x3FA9] =	sst s5  }
0xe: {  	[smem:$0x3FAA] =	sst s6  }
0xf: {  	[smem:$0x3FAB] =	sst s7  }
0x10: {  	[smem:$0x3FAC] =	sst s8  }
0x11: {  	[smem:$0x3FAD] =	sst s9;
	s0 =	simm.s32 @!p0 $0x0  }
0x12: {  	s1 =	sld [smem:$0x3F93];
	s0 =	simm.s32 @p0 $0x1  }
0x13: {  	[smem:$0x3FAE] =	sst s0;
	s0 =	simm.s32 @!p1 $0x0  }
0x14: {  	s2 =	sld [smem:$0x3F92];
	s0 =	simm.s32 @p1 $0x1  }
0x15: {  	[smem:$0x3FAF] =	sst s0;
	s0 =	simm.s32 @!p2 $0x0  }
0x16: {  	s3 =	sld [smem:$0x3FDB];
	s0 =	simm.s32 @p2 $0x1  }
0x17: {  	s4 =	simm.s32 $0x1BF5;
	[smem:$0x3FB1] =	sst s0  }
0x18: {  	s0 =	sld [smem:$0x3F94];
	_ =	swait.ge [sflag:s4], $0x0  }
0x19: {  	s7 =	sld [smem:$0x3F95]  }
0x1a: {  	s8 =	sadd.s32 $0xFFFFE003, lr  }
0x1b: {  	s9 =	sadd.s32 $0xFFFFFEF7, lr;
	s5 =	simm.s32 $0xFFFFFFFF;
	p2 =	slt.u32 s8, $0xFFFFF086  }
0x1c: {  	p1 =	slt.u32 s9, $0xF7A;
	s5 =	simm.s32 @!p2 $0x0  }
0x1d: {  	s5 =	simm.s32 @p1 $0x1;
	p0 =	seq.s32 s7, s2  }
0x1e: {  	s7 =	smul.u32 @!p0 $0xF7A, s2;
	p2 =	seq.s32 @!p0 s5, $0x0  }
0x1f: {  	s9 =	smul.u32 $0xF7A, s1;
	s8 =	simm.s32 @!p0 $0x1BF5;
	p2 =	por !p2, p0  }
0x20: {  	[sflag:s8] =	ssyncset.s32 @!p0 $0xFFFFF086;
	s6 =	sadd.s32 @!p0 s3, s7;
	s7 =	simm.s32 @!p0 $0x108  }
0x21: {  	s3 =	sadd.s32 s3, s9;
	s6 =	sadd.s32 @!p0 $0x88, s6;
	s7 =	simm.s32 @p2 $0x1082  }
0x22: {  	[simem:s7], [sflag:s8] =	dma.local @!p0 [hbm:s6], $0xF7A  }
0x23: {  	s9 =	sor.u32 $0xD0000000, s2;
	s6 =	simm.s32 $0x108;
	_ =	swait.ge @!p0 [sflag:s8], $0x0  }
0x24: {  	s3 =	sadd.s32 $0x88, s3;
	s6 =	simm.s32 @!p1 $0x1082;
	[sflag:s4] =	ssyncset.s32 $0xFFFFF086  }
0x25: {  	[simem:s6], [sflag:s4] =	dma.local [hbm:s3], $0xF7A  }
0x26: {  	[smem:$0x3F95] =	sst s1;
	(tag) =	ssettag s2;
	_ =	strace s9  }
0x27: {  	s1 =	sld [smem:$0x3FA5]  }
0x28: {  	s2 =	sld [smem:$0x3FA6]  }
0x29: {  	s4 =	sld [smem:$0x3FA8]  }
0x2a: {  	p0 =	seq.s32 s5, $0x0;
	s5 =	sld [smem:$0x3FA9]  }
0x2b: {  	s6 =	sld [smem:$0x3FAA]  }
0x2c: {  	s7 =	sld [smem:$0x3FAB]  }
0x2d: {  	s3 =	simm.s32 $0x108;
	s8 =	sld [smem:$0x3FAC]  }
0x2e: {  	s3 =	simm.s32 @!p0 $0x1082;
	s9 =	sld [smem:$0x3FAD]  }
0x2f: {  	lr =	sadd.s32 s0, s3;
	s0 =	sld [smem:$0x3FA4]  }
0x30: {  	s3 =	sld [smem:$0x3FA7]  }
0x31: {  	[smem:$0x3FB0] =	sst s10  }
0x32: {  	s10 =	sld [smem:$0x3FAE];
	_ =	sdelay $0x3  }
0x33: {  	p0 =	seq.s32 s10, $0x1;
	s10 =	sld [smem:$0x3FB0];
	_ =	sdelay $0x3  }
0x34: {  	[smem:$0x3FB0] =	sst s10  }
0x35: {  	s10 =	sld [smem:$0x3FAF];
	_ =	sdelay $0x3  }
0x36: {  	p1 =	seq.s32 s10, $0x1;
	s10 =	sld [smem:$0x3FB0];
	_ =	sdelay $0x3  }
0x37: {  	[smem:$0x3FB0] =	sst s10  }
0x38: {  	s10 =	sld [smem:$0x3FB1]  }
0x39: {  	_ = 	snop;
	(pc) =	sbr.ind lr, $3  }
0x3a: {  	_ = 	snop  }
0x3b: {  	_ = 	snop  }
0x3c: {  	p2 =	seq.s32 s10, $0x1;
	s10 =	sld [smem:$0x3FB0]  }
0x3d: {  	_ =	shalt  }
0x3e: {  	_ =	shalt  }
0x3f: {  	_ =	shalt  }
0x40: {  	_ =	shalt  }
0x41: {  	_ =	shalt  }
0x42: {  	_ =	shalt  }
0x43: {  	_ =	shalt  }
0x44: {  	_ =	shalt  }
0x45: {  	_ =	shalt  }
0x46: {  	_ =	shalt  }
0x47: {  	_ =	shalt  }
0x48: {  	_ =	shalt  }
0x49: {  	_ =	shalt  }
0x4a: {  	_ =	shalt  }
0x4b: {  	_ =	shalt  }
0x4c: {  	_ =	shalt  }
0x4d: {  	_ =	shalt  }
0x4e: {  	_ =	shalt  }
0x4f: {  	_ =	shalt  }
0x50: {  	_ =	shalt  }
0x51: {  	_ =	shalt  }
0x52: {  	_ =	shalt  }
0x53: {  	_ =	shalt  }
0x54: {  	_ =	shalt  }
0x55: {  	_ =	shalt  }
0x56: {  	_ =	shalt  }
0x57: {  	_ =	shalt  }
0x58: {  	_ =	shalt  }
0x59: {  	_ =	shalt  }
0x5a: {  	_ =	shalt  }
0x5b: {  	_ =	shalt  }
0x5c: {  	_ =	shalt  }
0x5d: {  	_ =	shalt  }
0x5e: {  	_ =	shalt  }
0x5f: {  	_ =	shalt  }
0x60: {  	_ =	shalt  }
0x61: {  	_ =	shalt  }
0x62: {  	_ =	shalt  }
0x63: {  	_ =	shalt  }
0x64: {  	_ =	shalt  }
0x65: {  	_ =	shalt  }
0x66: {  	_ =	shalt  }
0x67: {  	_ =	shalt  }
0x68: {  	_ =	shalt  }
0x69: {  	_ =	shalt  }
0x6a: {  	_ =	shalt  }
0x6b: {  	_ =	shalt  }
0x6c: {  	_ =	shalt  }
0x6d: {  	_ =	shalt  }
0x6e: {  	_ =	shalt  }
0x6f: {  	_ =	shalt  }
0x70: {  	_ =	shalt  }
0x71: {  	_ =	shalt  }
0x72: {  	_ =	shalt  }
0x73: {  	_ =	shalt  }
0x74: {  	_ =	shalt  }
0x75: {  	_ =	shalt  }
0x76: {  	_ =	shalt  }
0x77: {  	_ =	shalt  }
0x78: {  	_ =	shalt  }
0x79: {  	_ =	shalt  }
0x7a: {  	_ =	shalt  }
0x7b: {  	_ =	shalt  }
0x7c: {  	_ =	shalt  }
0x7d: {  	_ =	shalt  }
0x7e: {  	_ =	shalt  }
0x7f: {  	_ =	shalt  }
0x80: {  	_ =	shalt  }
0x81: {  	_ =	shalt  }
0x82: {  	_ =	shalt  }
0x83: {  	_ =	shalt  }
0x84: {  	_ =	shalt  }
0x85: {  	_ =	shalt  }
0x86: {  	_ =	shalt  }
0x87: {  	_ =	shalt  }
.Lfunc_end0:
.L_simem_size_0:
called_computation.1_lowered:
.L_overlay_start_0:
0x88: {  	s2 =	sld [smem:$0x3FD9]  }
0x89: {  	s3 =	sld [smem:$0x3FFE];
	_ =	sdelay $0x1  }
0x8a: {  	s1 =	srdreg.scid  }
0x8b: {  	s0 =	sand.u32 $0x1, s1  }
0x8c: {  	s17 =	sshll.u32 s0, $0xA;
	s2 =	sadd.s32 s3, s2  }
0x8d: {  	s2 =	sadd.s32 s2, s17  }
0x8e: {  	[smem:$0x3FBC] =	sst s2  }
0x8f: {  	_ = 	snop  }
0x90: {  	s2 =	sld [smem:$0x3FD0];
	(tm) =	ssettm $0x1  }
0x91: {  	s18 =	sld [smem:$0x3FFB];
	_ =	sdelay $0x3  }
0x92: {  	_ =	strace s18  }
0x93: {  	s3 =	sld [smem:$0x3FFC];
	_ =	sdelay $0x3  }
0x94: {  	_ =	strace s3  }
0x95: {  	s3 =	sld [smem:$0x3FFD];
	_ =	sdelay $0x3  }
0x96: {  	_ =	strace s3  }
0x97: {  	_ =	strace $0x8FFFFFFF  }
0x98: {  	s19 =	sld [smem:$0x3FDB];
	_ =	sdelay $0x1  }
0x99: {  	s4 =	simm.s32 $_scs_section_size  }
0x9a: {  	s5 =	simm.s32 $_size__tile_overlayer_lowered;
	s6 =	simm.s32 $_tile_overlayer_lowered  }
0x9b: {  	s22 =	simm.s32 $0x1BFF;
	s21 =	sshll.u32 s6, $0x1;
	s3 =	sadd.s32 s4, s19  }
0x9c: {  	s7 =	simm.s32 $0x0;
	s20 =	sshll.u32 s5, $0x1;
	s5 =	sadd.s32 s21, s3  }
0x9d: {  	[timem:s7], [sflag:s22] =	dma.local [hbm:s5], s20  }
0x9e: {  	_ =	swait.ge [sflag:s22], s20  }
0x9f: {  	s4 =	ssub.s32 $0x0, s20;
	[sflag:s22] =	ssyncset.done $0x0  }
0xa0: {  	[sflag:s22] =	ssyncadd.s32 s4;
	_ =	sdelay $0x1  }
0xa1: {  	s23 =	simm.s32 $0x1B8B  }
0xa2: {  	_ =	swait.ge [sflag:s23], $0x1  }
0xa3: {  	[sflag:s23] =	ssyncset.done $0x0  }
0xa4: {  	s25 =	simm.s32 $0x1B8E;
	s24 =	sld [smem:$0x3FFE];
	[sflag:s23] =	ssyncadd.s32 $0xFFFFFFFF  }
0xa5: {  	s26 =	simm.s32 $execute0_lowered;
	[smem:$0x3FD2] =	sst s25  }
0xa6: {  	s5 =	sshll.u32 s26, $0x1;
	_ =	strace $0x80000049;
	[dreg:$0x1] =	wrdreg $0xFFFFFFFF  }
0xa7: {  	s28 =	simm.s32 $_size_execute0_lowered;
	s3 =	sadd.s32 s3, s5;
	[dreg:$0x0] =	wrdreg $0x0  }
0xa8: {  	s5 =	sshll.u32 s28, $0x1;
	[dreg:$0x2] =	wrdreg s3  }
0xa9: {  	[dreg:$0x3] =	wrdreg s5  }
0xaa: {  	[dreg:$0x4] =	wrdreg $0xC0  }
0xab: {  	_ =	task [dreg:s7], $0x5FFFF  }
0xac: {  	[dreg:$0x1] =	wrdreg $0xFFFFFFFF  }
0xad: {  	[dreg:$0x0] =	wrdreg $0x60  }
0xae: {  	[dreg:$0x2] =	wrdreg s24  }
0xaf: {  	[dreg:$0x3] =	wrdreg s2  }
0xb0: {  	[dreg:$0x4] =	wrdreg $0xD3000  }
0xb1: {  	[dreg:$0x5] =	wrdreg $0x9  }
0xb2: {  	_ =	task.clear_ibuf [dreg:s7], $0x6FFFF;
	_ =	strace $0x90000049  }
0xb3: {  	s29 =	simm.s32 $0x9;
	_ =	strace $0x8000004B  }
0xb4: {  	_ =	swait.ge [sflag:s29], $0x1  }
0xb5: {  	[sflag:s29] =	ssyncadd.s32 $0xFFFFFFFF  }
0xb6: {  	_ =	strace $0x9000004B  }
0xb7: {  	_ =	sfence  }
0xb8: {  	s30 =	sld [smem:$0x0];
	_ =	sdelay $0x2  }
0xb9: {  	s31 =	sshll.u32 s1, $0xD;
	s1 =	sshrl.u32 s1, $0x2  }
0xba: {  	s3 =	sand.u32 $0x4000, s31;
	s1 =	sadd.s32 s1, s30  }
0xbb: {  	s0 =	sor.u32 s3, s0;
	s1 =	sshll.u32 s1, $0x11  }
0xbc: {  	s0 =	sor.u32 s1, s0  }
0xbd: {  	s0 =	sadd.s32 $0x8F2B, s0  }
0xbe: {  	[sflag:s0] =	ssyncadd.remote.s32 $0x1  }
0xbf: {  	_ =	sfence.sel $0xFFFF  }
0xc0: {  	[dreg:$0x0] =	wrdreg $0xFFFFFFFF;
	(pc) =	sbr.abs _section_cstart, $3  }
0xc1: {  	[dreg:$0x1] =	wrdreg $0xFFFFFFFF  }
0xc2: {  	_ =	task.clear_ibuf [dreg:s7], $0x2FFFF;
	_ =	strace $0x9FFFFFFF  }
0xc3: {  	(tm) =	ssettm $0x7FFFFFFF  }
tec
execute0_lowered:
.L_overlay_start_1:
0x0: {  	(tag) =	ssettag $0x1  }
0x1: {  	s5 =	rddreg [dreg:$0x0]  }
0x2: {  	s6 =	rddreg [dreg:$0x1];
	s0 =	srdreg.scid  }
0x3: {  	s2 =	rddreg [dreg:$0x2];
	s1 =	stileid.u32;
	s3 =	simm.s32 $0x0  }
0x4: {  	s13 =	simm.s32 $0x1;
	s14 =	simm.s32 $0x80;
	s15 =	simm.s32 $0x5180  }
0x5: {  	s16 =	simm.s32 $0x9300;
	s17 =	simm.s32 $0x5200;
	s9 =	smul.u32 $0xA000, s1  }
0x6: {  	s18 =	simm.s32 $0x4;
	s19 =	simm.s32 $0x2;
	s10 =	smul.u32 $0x29000, s1  }
0x7: {  	s7 =	sand.u32 $0x1, s0;
	s0 =	rddreg [dreg:$0x3];
	s29 =	smul.u32 $0xA00, s1  }
0x8: {  	s22 =	simm.s32 $0x0;
	[smem:$0x7FF] =	sst s3;
	s31 =	smul.u32 $0x28000, s1  }
0x9: {  	s4 =	sadd.s32 $0x2BC00, s5;
	s8 =	smul.u32 $0xA0000, s7;
	s26 =	ssub.s32 $0x2, s7  }
0xa: {  	_ =	strace $0x8000004A;
	s20 =	smul.u32 $0xFFFFEC00, s7;
	s28 =	sshrl.u32 s26, $0x1  }
0xb: {  	s30 =	sshrl.u32 s10, $0x2;
	s10 =	sshrl.u32 s31, $0x2;
	s8 =	sadd.s32 s9, s8  }
.Ltmp0:
0xc: {  	v0 =	vlaneseq.u32;
	s12 =	ssub.s32 s26, s28;
	s21 =	sadd.s32 s10, s2;
	(pc) =	sbr.rel .LBB2_1-.Ltmp0, $4  }
0xd: {  	v2 =	vmul.u32 $0x10000, v0;
	v0 =	vmov s20;
	s20 =	simm.s32 $0x5280;
	s8 =	sshrl.u32 s8, $0x3;
	s10 =	smax.u32 s12, $0x1  }
0xe: {  	s11 =	sadd.s32 s8, s5;
	s5 =	sadd.s32 s6, s29;
	s6 =	sadd.s32 s30, s2  }
0xf: {  	s12 =	simm.s32 $0x5300;
	s21 =	sshrl.u32 s21, $0x3;
	s7 =	sadd.s32 $0x4000, s6  }
0x10: {  	v1 =	vimm.f32 $0.0e+00;
	v2 =	vor.u32 $0x14000000, v2;
	s8 =	sadd.s32 $0x8000, s6;
	s9 =	sadd.s32 $0x52E00, s11;
	s11 =	simm.s32 $0x3  }
.LBB2_9:
0x11: {  	s22 =	sadd.s32 $0x1, s22  }
0x12: {  	s23 =	sshll.u32 s1, $0x6;
	p0 =	sne.s32 s22, s10  }
.Ltmp1:
0x13: {  	[bflag:$0x0] =	sbarrier.arrive $0xFFFF;
	s23 =	sor.u32 $0x1C03, s23;
	(pc) =	sbr.rel @!p0 .LBB2_10-.Ltmp1, $4  }
0x14: {  	[hbm:s9], [sflag:s23] =	dma.local [spmem:s21], $0x1400  }
0x15: {  	_ =	swait.ge [sflag:s11], $0x1400  }
0x16: {  	[sflag:s11] =	ssyncset.done $0x0  }
0x17: {  	[sflag:s11] =	ssyncadd.s32 $0xFFFFEC00  }
.LBB2_1:
0x18: {  	[tilespmem:s3], [sflag:$0x3] =	stream.linear.gather [hbm4b:s5+s3], $0x5000, $0x38;
	[tilespmem:$0x17700] =	vst v63  }
0x19: {  	_ =	swait.ge [sflag:s11], $0x5000  }
0x1a: {  	[sflag:s11] =	ssyncset.done $0x0  }
0x1b: {  	s23 =	simm.s32 $0x0;
	s24 =	simm.s32 $0x200;
	[sflag:s11] =	ssyncadd.s32 $0xFFFFB000  }
.LBB2_2:
0x1c: {  	p0 =	sne.s32 s24, $0xFE00;
	[tilespmem:s23+$0x5370] =	vst v1  }
0x1d: {  	[tilespmem:s23+$0x5300] =	vst v1  }
0x1e: {  	[tilespmem:s23+$0x5310] =	vst v1  }
.Ltmp2:
0x1f: {  	[tilespmem:s23+$0x5320] =	vst v1;
	(pc) =	sbr.rel @p0 .LBB2_2-.Ltmp2, $4  }
0x20: {  	[tilespmem:s23+$0x5330] =	vst v1  }
0x21: {  	[tilespmem:s23+$0x5340] =	vst v1  }
0x22: {  	[tilespmem:s23+$0x5350] =	vst v1  }
0x23: {  	[tilespmem:s23+$0x5360] =	vst v1;
	s23 =	sshra.s32 s24, $0x2;
	s24 =	sadd.s32 $0x200, s24  }
0x24: {  	[tilespmem:s23+$0x5370] =	vst v1  }
0x25: {  	[tilespmem:s23+$0x5300] =	vst v1  }
0x26: {  	[tilespmem:s23+$0x5310] =	vst v1  }
0x27: {  	[tilespmem:s23+$0x5320] =	vst v1  }
0x28: {  	[tilespmem:s23+$0x5330] =	vst v1  }
0x29: {  	[tilespmem:s23+$0x5340] =	vst v1  }
0x2a: {  	[tilespmem:s23+$0x5350] =	vst v1  }
0x2b: {  	[tilespmem:s23+$0x5360] =	vst v1  }
0x2c: {  	[spmem:s6] =	stream.linear.scatter [tilespmem:s12], [sflag:$0x3], $0x4000, $0x38;
	[tilespmem:$0x17700] =	vst v63  }
0x2d: {  	_ =	swait.ge [sflag:s11], $0x4000  }
0x2e: {  	[sflag:s11] =	ssyncset.done $0x0  }
0x2f: {  	[sflag:s11] =	ssyncadd.s32 $0xFFFFC000  }
0x30: {  	[spmem:s7] =	stream.linear.scatter [tilespmem:s12], [sflag:$0x3], $0x4000, $0x38;
	[tilespmem:$0x17700] =	vst v63  }
0x31: {  	_ =	swait.ge [sflag:s11], $0x4000  }
0x32: {  	[sflag:s11] =	ssyncset.done $0x0  }
0x33: {  	[sflag:s11] =	ssyncadd.s32 $0xFFFFC000  }
0x34: {  	[spmem:s8] =	stream.linear.scatter [tilespmem:s12], [sflag:$0x3], $0x2400, $0x38;
	[tilespmem:$0x17700] =	vst v63  }
0x35: {  	_ =	swait.ge [sflag:s11], $0x2400  }
0x36: {  	[sflag:s11] =	ssyncset.done $0x0  }
0x37: {  	s31 =	simm.s32 $0x0;
	[sflag:s11] =	ssyncadd.s32 $0xFFFFDC00  }
0x38: {  	v3 =	vld [tilespmem:s31+$0x0];
	_ =	sdelay $0x4  }
0x39: {  	v4 =	vshra.s32 v3, $0x10  }
0x3a: {  	v4 =	vadd.s32 v0, v4  }
0x3b: {  	vm0 =	vlt.u32 v4, $0x1400  }
0x3c: {  	v5 =	vmpcnt.ones.xlane vm0;
	_ =	sdelay $0x1  }
0x3d: {  	v5 =	vxor.u32 $0x80000000, v5  }
0x3e: {  	(xrf0) =	vmax.scan.msk.u32 $0xffff, v5;
	_ =	sdelay $0x4  }
0x3f: {  	v3 =	vand.u32 $0xFFFF, v3;
	v4 =	vshll.u32 v4, $0x10  }
0x40: {  	s23 =	simm.s32 $0x0;
	v3 =	vor.u32 v3, v4;
	v63, _, _ =	vpop (xrf0)  }
0x41: {  	s25 =	simm.s32 $0x10;
	s24 =	simm.s32 $0x80;
	[tilespmem:s23+$0x0] =	vst.msk vm0, v3;
	(v2sf) =	vpush v63, $0xF  }
.LBB2_4:
0x42: {  	p0 =	sne.s32 s24, $0x13FC0;
	v3 =	vld [tilespmem:s25+$0x0];
	_ =	sdelay $0x4  }
0x43: {  	v4 =	vshra.s32 v3, $0x10;
	v3 =	vand.u32 $0xFFFF, v3  }
0x44: {  	v4 =	vadd.s32 v0, v4  }
0x45: {  	vm0 =	vlt.u32 v4, $0x1400;
	v4 =	vshll.u32 v4, $0x10  }
0x46: {  	v5 =	vmpcnt.ones.xlane vm0;
	_ =	sdelay $0x1  }
0x47: {  	v5 =	vxor.u32 $0x80000000, v5  }
0x48: {  	(xrf0) =	vmax.scan.msk.u32 $0xffff, v5;
	_ =	sdelay $0x2  }
.Ltmp3:
0x49: {  	s25 =	spop (v2sf);
	(pc) =	sbr.rel @p0 .LBB2_4-.Ltmp3, $4  }
0x4a: {  	s23 =	sadd.s32 s25, s23  }
0x4b: {  	v4 =	vor.u32 v3, v4;
	s23 =	sadd.s32 $0x80000000, s23  }
0x4c: {  	[tilespmem:s23+$0x0] =	vst.msk vm0, v4;
	v3, _, _ =	vpop (xrf0)  }
0x4d: {  	s25 =	sshra.s32 s24, $0x2;
	s24 =	sadd.s32 $0x40, s24;
	(v2sf) =	vpush v3, $0xF  }
0x4e: {  	v3 =	vld [tilespmem:s25+$0x0];
	_ =	sdelay $0x4  }
0x4f: {  	v4 =	vshra.s32 v3, $0x10  }
0x50: {  	v4 =	vadd.s32 v0, v4  }
0x51: {  	vm0 =	vlt.u32 v4, $0x1400  }
0x52: {  	v5 =	vmpcnt.ones.xlane vm0;
	_ =	sdelay $0x1  }
0x53: {  	v5 =	vxor.u32 $0x80000000, v5  }
0x54: {  	(xrf0) =	vmax.scan.msk.u32 $0xffff, v5;
	_ =	sdelay $0x5  }
0x55: {  	v5, _, _ =	vpop (xrf0)  }
0x56: {  	(v2sf) =	vpush v5, $0xF;
	_ =	sdelay $0xc  }
0x57: {  	s24 =	spop (v2sf)  }
0x58: {  	s23 =	sadd.s32 s24, s23  }
0x59: {  	v3 =	vand.u32 $0xFFFF, v3;
	v4 =	vshll.u32 v4, $0x10;
	s23 =	sadd.s32 $0x80000000, s23;
	s28 =	spop (v2sf)  }
0x5a: {  	v3 =	vor.u32 v3, v4;
	s24 =	sadd.s32 s28, s23  }
0x5b: {  	[tilespmem:s23+$0x0] =	vst.msk vm0, v3;
	s29 =	sadd.s32 $0x80000000, s24  }
0x5c: {  	[tilespmem:s29+$0x0] =	vst v2  }
0x5d: {  	[tilespmem:s29+$0x10] =	vst v2  }
0x5e: {  	[tilespmem:s29+$0x20] =	vst v2  }
0x5f: {  	[tilespmem:s29+$0x30] =	vst v2  }
0x60: {  	[tilespmem:s29+$0x40] =	vst v2  }
0x61: {  	[tilespmem:s29+$0x50] =	vst v2  }
0x62: {  	[tilespmem:s29+$0x60] =	vst v2  }
0x63: {  	[tilespmem:s29+$0x70] =	vst v2  }
0x64: {  	[tilespmem:s29+$0x80] =	vst v2;
	s24 =	sadd.s32 $0xFF, s29  }
0x65: {  	[tilespmem:s29+$0x90] =	vst v2;
	s30 =	sand.u32 $0xFF, s24  }
0x66: {  	[tilespmem:s29+$0xA0] =	vst v2;
	s26 =	sshra.s32 s24, $0x1F;
	p0 =	slt.s32 s24, $0x1;
	p1 =	sne.s32 s30, $0x0  }
0x67: {  	[tilespmem:s29+$0xB0] =	vst v2;
	s31 =	sshrl.u32 s26, $0x18;
	p0 =	por !p0, !p1  }
0x68: {  	s25 =	simm.s32 $0x1;
	[tilespmem:s29+$0xC0] =	vst v2;
	s24 =	sadd.s32 s31, s24;
	p0 =	por !p0, !p0  }
0x69: {  	[tilespmem:s29+$0xD0] =	vst v2;
	s24 =	sshrl.u32 s24, $0x8;
	s25 =	simm.s32 @!p0 $0x0  }
0x6a: {  	[tilespmem:s29+$0xE0] =	vst v2;
	s24 =	ssub.s32 s24, s25  }
0x6b: {  	[tilespmem:s29+$0xF0] =	vst v2;
	s23 =	sshll.u32 s24, $0x8  }
0x6c: {  	[bflag:$0x0] =	sbarrier.arrive $0xFFFF;
	p0 =	slt.s32 s23, $0x1  }
0x6d: {  	v3 =	vld @!p0 [tilespmem:$0x0];
	_ =	sdelay $0x1  }
0x6e: {  	v4 =	vld @!p0 [tilespmem:$0x10];
	_ =	sdelay $0x1  }
0x6f: {  	v5 =	vld @!p0 [tilespmem:$0x20]  }
0x70: {  	v6 =	vand.u32 @!p0 $0xFFFF, v3  }
0x71: {  	v3 =	vshra.s32 @!p0 v3, $0x10;
	[tilespmem:$0x5100] =	vst @!p0 v6;
	v6 =	vld @!p0 [tilespmem:$0x30]  }
0x72: {  	[tilespmem:$0x5200] =	vst @!p0 v3;
	v3 =	vand.u32 @!p0 $0xFFFF, v4  }
0x73: {  	[tilespmem:$0x5110] =	vst @!p0 v3;
	v3 =	vshra.s32 @!p0 v4, $0x10;
	v4 =	vld @!p0 [tilespmem:$0x40]  }
0x74: {  	[tilespmem:$0x5210] =	vst @!p0 v3;
	v3 =	vand.u32 @!p0 $0xFFFF, v5  }
0x75: {  	[tilespmem:$0x5120] =	vst @!p0 v3;
	v3 =	vshra.s32 @!p0 v5, $0x10;
	v5 =	vld @!p0 [tilespmem:$0x50]  }
0x76: {  	[tilespmem:$0x5220] =	vst @!p0 v3;
	v3 =	vand.u32 @!p0 $0xFFFF, v6  }
0x77: {  	[tilespmem:$0x5130] =	vst @!p0 v3;
	v3 =	vshra.s32 @!p0 v6, $0x10;
	v6 =	vld @!p0 [tilespmem:$0x60]  }
0x78: {  	[tilespmem:$0x5230] =	vst @!p0 v3;
	v3 =	vand.u32 @!p0 $0xFFFF, v4  }
0x79: {  	[tilespmem:$0x5140] =	vst @!p0 v3;
	v3 =	vshra.s32 @!p0 v4, $0x10;
	v4 =	vld @!p0 [tilespmem:$0x70]  }
0x7a: {  	[tilespmem:$0x5240] =	vst @!p0 v3;
	v3 =	vand.u32 @!p0 $0xFFFF, v5  }
0x7b: {  	[tilespmem:$0x5150] =	vst @!p0 v3;
	v3 =	vshra.s32 @!p0 v5, $0x10  }
0x7c: {  	[tilespmem:$0x5250] =	vst @!p0 v3;
	v3 =	vand.u32 @!p0 $0xFFFF, v6  }
0x7d: {  	[tilespmem:$0x5160] =	vst @!p0 v3;
	v3 =	vshra.s32 @!p0 v6, $0x10  }
.Ltmp4:
0x7e: {  	[tilespmem:$0x5260] =	vst @!p0 v3;
	v3 =	vand.u32 @!p0 $0xFFFF, v4;
	(pc) =	sbr.rel .LBB2_6-.Ltmp4, $4  }
0x7f: {  	[tilespmem:$0x5170] =	vst @!p0 v3;
	v3 =	vshra.s32 @!p0 v4, $0x10  }
0x80: {  	s24 =	simm.s32 @!p0 $0x80;
	s25 =	simm.s32 @!p0 $0x5100;
	s26 =	simm.s32 @!p0 $0x5300;
	[tilespmem:$0x5270] =	vst @!p0 v3  }
0x81: {  	[tilespmem:s26], [sflag:$0x1] =	stream.indirect.gather @!p0 [hbm4b:s4+s24], $0x80, s25, s24, $0xb8;
	[tilespmem:$0x17700] =	vst v63  }
0x82: {  	s24 =	simm.s32 $0x100;
	s25 =	simm.s32 $0xC0  }
.LBB2_8:
0x83: {  	s24 =	sadd.s32 $0x100, s24  }
0x84: {  	p0 =	sne.s32 s24, $0x5100  }
.Ltmp5:
0x85: {  	_ = 	snop;
	(pc) =	sbr.rel @!p0 .LBB2_9-.Ltmp5, $2  }
0x86: {  	_ =	sdelay $0x2  }
0x87: {  	s25 =	sadd.s32 $0x100, s25  }
.LBB2_6:
0x88: {  	s26 =	sadd.s32 $0xFFFFFF00, s24  }
0x89: {  	p0 =	sge.s32 s26, s23  }
.Ltmp6:
0x8a: {  	_ = 	snop;
	(pc) =	sbr.rel @p0 .LBB2_8-.Ltmp6, $1  }
0x8b: {  	_ =	sdelay $0x3  }
0x8c: {  	v3 =	vld [tilespmem:s25+$0xFFFFFFC0];
	_ =	sdelay $0x4  }
0x8d: {  	v4 =	vand.u32 $0xFFFF, v3  }
0x8e: {  	v3 =	vshra.s32 v3, $0x10;
	[tilespmem:$0x5180] =	vst v4  }
0x8f: {  	[tilespmem:$0x5280] =	vst v3  }
0x90: {  	v3 =	vld [tilespmem:s25+$0xFFFFFFD0];
	_ =	sdelay $0x4  }
0x91: {  	v57 =	vand.u32 $0xFFFF, v3  }
0x92: {  	v3 =	vshra.s32 v3, $0x10;
	[tilespmem:$0x5190] =	vst v57  }
0x93: {  	[tilespmem:$0x5290] =	vst v3  }
0x94: {  	v3 =	vld [tilespmem:s25+$0xFFFFFFE0];
	_ =	sdelay $0x4  }
0x95: {  	v58 =	vand.u32 $0xFFFF, v3  }
0x96: {  	v3 =	vshra.s32 v3, $0x10;
	[tilespmem:$0x51A0] =	vst v58  }
0x97: {  	[tilespmem:$0x52A0] =	vst v3  }
0x98: {  	v3 =	vld [tilespmem:s25+$0xFFFFFFF0];
	_ =	sdelay $0x4  }
0x99: {  	v59 =	vand.u32 $0xFFFF, v3  }
0x9a: {  	v3 =	vshra.s32 v3, $0x10;
	[tilespmem:$0x51B0] =	vst v59  }
0x9b: {  	[tilespmem:$0x52B0] =	vst v3  }
0x9c: {  	v3 =	vld [tilespmem:s25+$0x0];
	_ =	sdelay $0x4  }
0x9d: {  	v60 =	vand.u32 $0xFFFF, v3  }
0x9e: {  	v3 =	vshra.s32 v3, $0x10;
	[tilespmem:$0x51C0] =	vst v60  }
0x9f: {  	[tilespmem:$0x52C0] =	vst v3  }
0xa0: {  	v3 =	vld [tilespmem:s25+$0x10];
	_ =	sdelay $0x4  }
0xa1: {  	v61 =	vand.u32 $0xFFFF, v3  }
0xa2: {  	v3 =	vshra.s32 v3, $0x10;
	[tilespmem:$0x51D0] =	vst v61  }
0xa3: {  	[tilespmem:$0x52D0] =	vst v3  }
0xa4: {  	v3 =	vld [tilespmem:s25+$0x20];
	_ =	sdelay $0x4  }
0xa5: {  	v62 =	vand.u32 $0xFFFF, v3  }
0xa6: {  	v3 =	vshra.s32 v3, $0x10;
	[tilespmem:$0x51E0] =	vst v62  }
0xa7: {  	[tilespmem:$0x52E0] =	vst v3  }
0xa8: {  	v3 =	vld [tilespmem:s25+$0x30];
	_ =	sdelay $0x4  }
0xa9: {  	v63 =	vand.u32 $0xFFFF, v3  }
0xaa: {  	v3 =	vshra.s32 v3, $0x10;
	[tilespmem:$0x51F0] =	vst v63  }
0xab: {  	[tilespmem:$0x52F0] =	vst v3  }
0xac: {  	[tilespmem:s16], [sflag:$0x2] =	stream.indirect.gather [hbm4b:s4+s14], $0x80, s15, s14, $0xb8;
	[tilespmem:$0x17700] =	vst v63  }
0xad: {  	_ =	swait.ge [sflag:s13], $0x4000  }
0xae: {  	[sflag:s13] =	ssyncset.done $0x0  }
0xaf: {  	[sflag:s13] =	ssyncadd.s32 $0xFFFFC000  }
0xb0: {  	[spmem:s2] =	stream.indirect.scatter.add.f32 [tilespmem:s12], [sflag:$0x4], $0x80, s17, s14, $0xb8;
	[tilespmem:$0x17700] =	vst v63  }
0xb1: {  	_ =	swait.ge [sflag:s18], $0x4000  }
0xb2: {  	[sflag:s18] =	ssyncset.done $0x0  }
0xb3: {  	p0 =	sge.s32 s24, s23;
	[sflag:s18] =	ssyncadd.s32 $0xFFFFC000  }
0xb4: {  	v3 =	vld @!p0 [tilespmem:s25+$0x40];
	_ =	sdelay $0x4  }
0xb5: {  	v4 =	vand.u32 @!p0 $0xFFFF, v3  }
0xb6: {  	v3 =	vshra.s32 @!p0 v3, $0x10;
	[tilespmem:$0x5100] =	vst @!p0 v4  }
0xb7: {  	[tilespmem:$0x5200] =	vst @!p0 v3  }
0xb8: {  	v3 =	vld @!p0 [tilespmem:s25+$0x50];
	_ =	sdelay $0x4  }
0xb9: {  	v4 =	vand.u32 @!p0 $0xFFFF, v3  }
0xba: {  	v3 =	vshra.s32 @!p0 v3, $0x10;
	[tilespmem:$0x5110] =	vst @!p0 v4  }
0xbb: {  	[tilespmem:$0x5210] =	vst @!p0 v3  }
0xbc: {  	v3 =	vld @!p0 [tilespmem:s25+$0x60];
	_ =	sdelay $0x4  }
0xbd: {  	v4 =	vand.u32 @!p0 $0xFFFF, v3  }
0xbe: {  	v3 =	vshra.s32 @!p0 v3, $0x10;
	[tilespmem:$0x5120] =	vst @!p0 v4  }
0xbf: {  	[tilespmem:$0x5220] =	vst @!p0 v3  }
0xc0: {  	v3 =	vld @!p0 [tilespmem:s25+$0x70];
	_ =	sdelay $0x4  }
0xc1: {  	v4 =	vand.u32 @!p0 $0xFFFF, v3  }
0xc2: {  	v3 =	vshra.s32 @!p0 v3, $0x10;
	[tilespmem:$0x5130] =	vst @!p0 v4  }
0xc3: {  	[tilespmem:$0x5230] =	vst @!p0 v3  }
0xc4: {  	v3 =	vld @!p0 [tilespmem:s25+$0x80];
	_ =	sdelay $0x4  }
0xc5: {  	v4 =	vand.u32 @!p0 $0xFFFF, v3  }
0xc6: {  	v3 =	vshra.s32 @!p0 v3, $0x10;
	[tilespmem:$0x5140] =	vst @!p0 v4  }
0xc7: {  	[tilespmem:$0x5240] =	vst @!p0 v3  }
0xc8: {  	v3 =	vld @!p0 [tilespmem:s25+$0x90];
	_ =	sdelay $0x4  }
0xc9: {  	v4 =	vand.u32 @!p0 $0xFFFF, v3  }
0xca: {  	v3 =	vshra.s32 @!p0 v3, $0x10;
	[tilespmem:$0x5150] =	vst @!p0 v4  }
0xcb: {  	[tilespmem:$0x5250] =	vst @!p0 v3  }
0xcc: {  	v3 =	vld @!p0 [tilespmem:s25+$0xA0];
	_ =	sdelay $0x4  }
0xcd: {  	v4 =	vand.u32 @!p0 $0xFFFF, v3  }
0xce: {  	v3 =	vshra.s32 @!p0 v3, $0x10;
	[tilespmem:$0x5160] =	vst @!p0 v4  }
0xcf: {  	[tilespmem:$0x5260] =	vst @!p0 v3  }
0xd0: {  	v3 =	vld @!p0 [tilespmem:s25+$0xB0];
	_ =	sdelay $0x4  }
0xd1: {  	v4 =	vand.u32 @!p0 $0xFFFF, v3  }
0xd2: {  	v3 =	vshra.s32 @!p0 v3, $0x10;
	[tilespmem:$0x5170] =	vst @!p0 v4  }
0xd3: {  	s26 =	simm.s32 @!p0 $0x80;
	s28 =	simm.s32 @!p0 $0x5100;
	s29 =	simm.s32 @!p0 $0x5300;
	[tilespmem:$0x5270] =	vst @!p0 v3  }
0xd4: {  	[tilespmem:s29], [sflag:$0x1] =	stream.indirect.gather @!p0 [hbm4b:s4+s26], $0x80, s28, s26, $0xb8;
	[tilespmem:$0x17700] =	vst v63  }
0xd5: {  	_ =	swait.ge [sflag:s19], $0x4000  }
0xd6: {  	[sflag:s19] =	ssyncset.done $0x0  }
.Ltmp7:
0xd7: {  	[sflag:s19] =	ssyncadd.s32 $0xFFFFC000;
	(pc) =	sbr.rel .LBB2_8-.Ltmp7, $4  }
0xd8: {  	[spmem:s2] =	stream.indirect.scatter.add.f32 [tilespmem:s16], [sflag:$0x3], $0x80, s20, s14, $0xb8;
	[tilespmem:$0x17700] =	vst v63  }
0xd9: {  	_ =	swait.ge [sflag:s11], $0x4000  }
0xda: {  	[sflag:s11] =	ssyncset.done $0x0  }
0xdb: {  	[sflag:s11] =	ssyncadd.s32 $0xFFFFC000  }
.LBB2_10:
0xdc: {  	_ =	sfence.sel $0x180000  }
0xdd: {  	[bflag:$0x0] =	sbarrier.arrive $0xFFFF  }
0xde: {  	p0 =	sne.s32 s1, $0x0;
	_ =	strace $0x9000004A  }
0xdf: {  	s0 =	sadd.s32 @!p0 $0x100000, s0;
	[bflag:$0x2] =	sbarrier.arrive $0xFFFF  }
0xe0: {  	[sflag:s0] =	ssyncadd.tile.s32 @!p0 $0x1;
	_ =	shalt  }
.Lfunc_end2:
_tile_overlayer_lowered:
.L_overlay_start_2:
0xe1: {  	(tag) =	ssettag $0x2  }
0xe2: {  	s0 =	rddreg [dreg:$0x0];
	s2 =	stileid.u32  }
0xe3: {  	s1 =	rddreg [dreg:$0x1];
	p0 =	sne.s32 s2, $0x0  }
0xe4: {  	s3 =	rddreg [dreg:$0x2];
	[bflag:$0x3] =	sbarrier.arrive $0xFFFF;
	s2 =	simm.s32 @!p0 $0x1C03  }
0xe5: {  	[timem:s3], [sflag:s2] =	dma.local @!p0 [hbm:s0], s1  }
0xe6: {  	s0 =	simm.s32 @!p0 $0x3  }
0xe7: {  	_ =	swait.ge @!p0 [sflag:s0], s1  }
0xe8: {  	s1 =	ssub.s32 @!p0 $0x0, s1;
	[sflag:s0] =	ssyncset.done @!p0 $0x0  }
0xe9: {  	[sflag:s0] =	ssyncadd.s32 @!p0 s1  }
0xea: {  	[bflag:$0x3] =	sbarrier.arrive $0xFFFF  }
0xeb: {  	_ =	shalt  }

// kernel: kernel.14.cloned.1.call-start
scs
__scs_entry_jumppad:
0x0: {  	(pc) =	sbr.rel $0x88, $3  }
0x1: {  	(tag) =	ssettag $0x0;
	lr =	simm.s32 $0x1  }
0x2: {  	[smem:$0x3F95] =	sst lr;
	_ =	strace $0xD0000000  }
0x3: {  	_ = 	snop  }
0x4: {  	_ = 	snop  }
0x5: {  	_ = 	snop  }
0x6: {  	_ = 	snop  }
0x7: {  	_ = 	snop  }
__scs_overlays_trampoline_lowered:
0x8: {  	[smem:$0x3FA4] =	sst s0  }
0x9: {  	[smem:$0x3FA5] =	sst s1  }
0xa: {  	[smem:$0x3FA6] =	sst s2  }
0xb: {  	[smem:$0x3FA7] =	sst s3  }
0xc: {  	[smem:$0x3FA8] =	sst s4  }
0xd: {  	[smem:$0x3FA9] =	sst s5  }
0xe: {  	[smem:$0x3FAA] =	sst s6  }
0xf: {  	[smem:$0x3FAB] =	sst s7  }
0x10: {  	[smem:$0x3FAC] =	sst s8  }
0x11: {  	[smem:$0x3FAD] =	sst s9;
	s0 =	simm.s32 @!p0 $0x0  }
0x12: {  	s1 =	sld [smem:$0x3F93];
	s0 =	simm.s32 @p0 $0x1  }
0x13: {  	[smem:$0x3FAE] =	sst s0;
	s0 =	simm.s32 @!p1 $0x0  }
0x14: {  	s2 =	sld [smem:$0x3F92];
	s0 =	simm.s32 @p1 $0x1  }
0x15: {  	[smem:$0x3FAF] =	sst s0;
	s0 =	simm.s32 @!p2 $0x0  }
0x16: {  	s3 =	sld [smem:$0x3FDB];
	s0 =	simm.s32 @p2 $0x1  }
0x17: {  	s4 =	simm.s32 $0x1BF5;
	[smem:$0x3FB1] =	sst s0  }
0x18: {  	s0 =	sld [smem:$0x3F94];
	_ =	swait.ge [sflag:s4], $0x0  }
0x19: {  	s7 =	sld [smem:$0x3F95]  }
0x1a: {  	s8 =	sadd.s32 $0xFFFFE003, lr  }
0x1b: {  	s9 =	sadd.s32 $0xFFFFFEF7, lr;
	s5 =	simm.s32 $0xFFFFFFFF;
	p2 =	slt.u32 s8, $0xFFFFF086  }
0x1c: {  	p1 =	slt.u32 s9, $0xF7A;
	s5 =	simm.s32 @!p2 $0x0  }
0x1d: {  	s5 =	simm.s32 @p1 $0x1;
	p0 =	seq.s32 s7, s2  }
0x1e: {  	s7 =	smul.u32 @!p0 $0xF7A, s2;
	p2 =	seq.s32 @!p0 s5, $0x0  }
0x1f: {  	s9 =	smul.u32 $0xF7A, s1;
	s8 =	simm.s32 @!p0 $0x1BF5;
	p2 =	por !p2, p0  }
0x20: {  	[sflag:s8] =	ssyncset.s32 @!p0 $0xFFFFF086;
	s6 =	sadd.s32 @!p0 s3, s7;
	s7 =	simm.s32 @!p0 $0x108  }
0x21: {  	s3 =	sadd.s32 s3, s9;
	s6 =	sadd.s32 @!p0 $0x88, s6;
	s7 =	simm.s32 @p2 $0x1082  }
0x22: {  	[simem:s7], [sflag:s8] =	dma.local @!p0 [hbm:s6], $0xF7A  }
0x23: {  	s9 =	sor.u32 $0xD0000000, s2;
	s6 =	simm.s32 $0x108;
	_ =	swait.ge @!p0 [sflag:s8], $0x0  }
0x24: {  	s3 =	sadd.s32 $0x88, s3;
	s6 =	simm.s32 @!p1 $0x1082;
	[sflag:s4] =	ssyncset.s32 $0xFFFFF086  }
0x25: {  	[simem:s6], [sflag:s4] =	dma.local [hbm:s3], $0xF7A  }
0x26: {  	[smem:$0x3F95] =	sst s1;
	(tag) =	ssettag s2;
	_ =	strace s9  }
0x27: {  	s1 =	sld [smem:$0x3FA5]  }
0x28: {  	s2 =	sld [smem:$0x3FA6]  }
0x29: {  	s4 =	sld [smem:$0x3FA8]  }
0x2a: {  	p0 =	seq.s32 s5, $0x0;
	s5 =	sld [smem:$0x3FA9]  }
0x2b: {  	s6 =	sld [smem:$0x3FAA]  }
0x2c: {  	s7 =	sld [smem:$0x3FAB]  }
0x2d: {  	s3 =	simm.s32 $0x108;
	s8 =	sld [smem:$0x3FAC]  }
0x2e: {  	s3 =	simm.s32 @!p0 $0x1082;
	s9 =	sld [smem:$0x3FAD]  }
0x2f: {  	lr =	sadd.s32 s0, s3;
	s0 =	sld [smem:$0x3FA4]  }
0x30: {  	s3 =	sld [smem:$0x3FA7]  }
0x31: {  	[smem:$0x3FB0] =	sst s10  }
0x32: {  	s10 =	sld [smem:$0x3FAE];
	_ =	sdelay $0x3  }
0x33: {  	p0 =	seq.s32 s10, $0x1;
	s10 =	sld [smem:$0x3FB0];
	_ =	sdelay $0x3  }
0x34: {  	[smem:$0x3FB0] =	sst s10  }
0x35: {  	s10 =	sld [smem:$0x3FAF];
	_ =	sdelay $0x3  }
0x36: {  	p1 =	seq.s32 s10, $0x1;
	s10 =	sld [smem:$0x3FB0];
	_ =	sdelay $0x3  }
0x37: {  	[smem:$0x3FB0] =	sst s10  }
0x38: {  	s10 =	sld [smem:$0x3FB1]  }
0x39: {  	_ = 	snop;
	(pc) =	sbr.ind lr, $3  }
0x3a: {  	_ = 	snop  }
0x3b: {  	_ = 	snop  }
0x3c: {  	p2 =	seq.s32 s10, $0x1;
	s10 =	sld [smem:$0x3FB0]  }
0x3d: {  	_ =	shalt  }
0x3e: {  	_ =	shalt  }
0x3f: {  	_ =	shalt  }
0x40: {  	_ =	shalt  }
0x41: {  	_ =	shalt  }
0x42: {  	_ =	shalt  }
0x43: {  	_ =	shalt  }
0x44: {  	_ =	shalt  }
0x45: {  	_ =	shalt  }
0x46: {  	_ =	shalt  }
0x47: {  	_ =	shalt  }
0x48: {  	_ =	shalt  }
0x49: {  	_ =	shalt  }
0x4a: {  	_ =	shalt  }
0x4b: {  	_ =	shalt  }
0x4c: {  	_ =	shalt  }
0x4d: {  	_ =	shalt  }
0x4e: {  	_ =	shalt  }
0x4f: {  	_ =	shalt  }
0x50: {  	_ =	shalt  }
0x51: {  	_ =	shalt  }
0x52: {  	_ =	shalt  }
0x53: {  	_ =	shalt  }
0x54: {  	_ =	shalt  }
0x55: {  	_ =	shalt  }
0x56: {  	_ =	shalt  }
0x57: {  	_ =	shalt  }
0x58: {  	_ =	shalt  }
0x59: {  	_ =	shalt  }
0x5a: {  	_ =	shalt  }
0x5b: {  	_ =	shalt  }
0x5c: {  	_ =	shalt  }
0x5d: {  	_ =	shalt  }
0x5e: {  	_ =	shalt  }
0x5f: {  	_ =	shalt  }
0x60: {  	_ =	shalt  }
0x61: {  	_ =	shalt  }
0x62: {  	_ =	shalt  }
0x63: {  	_ =	shalt  }
0x64: {  	_ =	shalt  }
0x65: {  	_ =	shalt  }
0x66: {  	_ =	shalt  }
0x67: {  	_ =	shalt  }
0x68: {  	_ =	shalt  }
0x69: {  	_ =	shalt  }
0x6a: {  	_ =	shalt  }
0x6b: {  	_ =	shalt  }
0x6c: {  	_ =	shalt  }
0x6d: {  	_ =	shalt  }
0x6e: {  	_ =	shalt  }
0x6f: {  	_ =	shalt  }
0x70: {  	_ =	shalt  }
0x71: {  	_ =	shalt  }
0x72: {  	_ =	shalt  }
0x73: {  	_ =	shalt  }
0x74: {  	_ =	shalt  }
0x75: {  	_ =	shalt  }
0x76: {  	_ =	shalt  }
0x77: {  	_ =	shalt  }
0x78: {  	_ =	shalt  }
0x79: {  	_ =	shalt  }
0x7a: {  	_ =	shalt  }
0x7b: {  	_ =	shalt  }
0x7c: {  	_ =	shalt  }
0x7d: {  	_ =	shalt  }
0x7e: {  	_ =	shalt  }
0x7f: {  	_ =	shalt  }
0x80: {  	_ =	shalt  }
0x81: {  	_ =	shalt  }
0x82: {  	_ =	shalt  }
0x83: {  	_ =	shalt  }
0x84: {  	_ =	shalt  }
0x85: {  	_ =	shalt  }
0x86: {  	_ =	shalt  }
0x87: {  	_ =	shalt  }
.Lfunc_end0:
.L_simem_size_0:
called_computation.2_lowered:
.L_overlay_start_0:
0x88: {  	s2 =	sld [smem:$0x3FD9]  }
0x89: {  	s3 =	sld [smem:$0x3FFE];
	_ =	sdelay $0x1  }
0x8a: {  	s1 =	srdreg.scid  }
0x8b: {  	s0 =	sand.u32 $0x1, s1  }
0x8c: {  	s17 =	sshll.u32 s0, $0xA;
	s2 =	sadd.s32 s3, s2  }
0x8d: {  	s2 =	sadd.s32 s2, s17  }
0x8e: {  	[smem:$0x3FBC] =	sst s2  }
0x8f: {  	_ = 	snop  }
0x90: {  	s2 =	sld [smem:$0x3FD0];
	(tm) =	ssettm $0x1  }
0x91: {  	s18 =	sld [smem:$0x3FFB];
	_ =	sdelay $0x3  }
0x92: {  	_ =	strace s18  }
0x93: {  	s3 =	sld [smem:$0x3FFC];
	_ =	sdelay $0x3  }
0x94: {  	_ =	strace s3  }
0x95: {  	s3 =	sld [smem:$0x3FFD];
	_ =	sdelay $0x3  }
0x96: {  	_ =	strace s3  }
0x97: {  	_ =	strace $0x8FFFFFFF  }
0x98: {  	s19 =	sld [smem:$0x3FDB];
	_ =	sdelay $0x1  }
0x99: {  	s4 =	simm.s32 $_scs_section_size  }
0x9a: {  	s5 =	simm.s32 $_size__tile_overlayer_lowered;
	s6 =	simm.s32 $_tile_overlayer_lowered  }
0x9b: {  	s22 =	simm.s32 $0x1BFF;
	s21 =	sshll.u32 s6, $0x1;
	s3 =	sadd.s32 s4, s19  }
0x9c: {  	s7 =	simm.s32 $0x0;
	s20 =	sshll.u32 s5, $0x1;
	s5 =	sadd.s32 s21, s3  }
0x9d: {  	[timem:s7], [sflag:s22] =	dma.local [hbm:s5], s20  }
0x9e: {  	_ =	swait.ge [sflag:s22], s20  }
0x9f: {  	s4 =	ssub.s32 $0x0, s20;
	[sflag:s22] =	ssyncset.done $0x0  }
0xa0: {  	[sflag:s22] =	ssyncadd.s32 s4;
	_ =	sdelay $0x1  }
0xa1: {  	s23 =	simm.s32 $0x1B8B  }
0xa2: {  	_ =	swait.ge [sflag:s23], $0x1  }
0xa3: {  	[sflag:s23] =	ssyncset.done $0x0  }
0xa4: {  	s25 =	simm.s32 $0x1B8E;
	s24 =	sld [smem:$0x3FFE];
	[sflag:s23] =	ssyncadd.s32 $0xFFFFFFFF  }
0xa5: {  	s26 =	simm.s32 $execute0_lowered;
	[smem:$0x3FD2] =	sst s25  }
0xa6: {  	s5 =	sshll.u32 s26, $0x1;
	_ =	strace $0x8000004C;
	[dreg:$0x1] =	wrdreg $0xFFFFFFFF  }
0xa7: {  	s28 =	simm.s32 $_size_execute0_lowered;
	s3 =	sadd.s32 s3, s5;
	[dreg:$0x0] =	wrdreg $0x0  }
0xa8: {  	s5 =	sshll.u32 s28, $0x1;
	[dreg:$0x2] =	wrdreg s3  }
0xa9: {  	[dreg:$0x3] =	wrdreg s5  }
0xaa: {  	[dreg:$0x4] =	wrdreg $0xC0  }
0xab: {  	_ =	task [dreg:s7], $0x5FFFF  }
0xac: {  	[dreg:$0x1] =	wrdreg $0xFFFFFFFF  }
0xad: {  	[dreg:$0x0] =	wrdreg $0x60  }
0xae: {  	[dreg:$0x2] =	wrdreg s24  }
0xaf: {  	[dreg:$0x3] =	wrdreg s2  }
0xb0: {  	[dreg:$0x4] =	wrdreg $0xD3000  }
0xb1: {  	[dreg:$0x5] =	wrdreg $0x9  }
0xb2: {  	_ =	task.clear_ibuf [dreg:s7], $0x6FFFF;
	_ =	strace $0x9000004C  }
0xb3: {  	s29 =	simm.s32 $0x9;
	_ =	strace $0x8000004E  }
0xb4: {  	_ =	swait.ge [sflag:s29], $0x1  }
0xb5: {  	[sflag:s29] =	ssyncadd.s32 $0xFFFFFFFF  }
0xb6: {  	_ =	strace $0x9000004E  }
0xb7: {  	_ =	sfence  }
0xb8: {  	s30 =	sld [smem:$0x0];
	_ =	sdelay $0x2  }
0xb9: {  	s31 =	sshll.u32 s1, $0xD;
	s1 =	sshrl.u32 s1, $0x2  }
0xba: {  	s3 =	sand.u32 $0x4000, s31;
	s1 =	sadd.s32 s1, s30  }
0xbb: {  	s0 =	sor.u32 s3, s0;
	s1 =	sshll.u32 s1, $0x11  }
0xbc: {  	s0 =	sor.u32 s1, s0  }
0xbd: {  	s0 =	sadd.s32 $0x8F2B, s0  }
0xbe: {  	[sflag:s0] =	ssyncadd.remote.s32 $0x1  }
0xbf: {  	_ =	sfence.sel $0xFFFF  }
0xc0: {  	[dreg:$0x0] =	wrdreg $0xFFFFFFFF;
	(pc) =	sbr.abs _section_cstart, $3  }
0xc1: {  	[dreg:$0x1] =	wrdreg $0xFFFFFFFF  }
0xc2: {  	_ =	task.clear_ibuf [dreg:s7], $0x2FFFF;
	_ =	strace $0x9FFFFFFF  }
0xc3: {  	(tm) =	ssettm $0x7FFFFFFF  }
tec
execute0_lowered:
.L_overlay_start_1:
0x0: {  	(tag) =	ssettag $0x1  }
0x1: {  	s5 =	rddreg [dreg:$0x0]  }
0x2: {  	s6 =	rddreg [dreg:$0x1];
	s0 =	srdreg.scid  }
0x3: {  	s2 =	rddreg [dreg:$0x2];
	s1 =	stileid.u32;
	s3 =	simm.s32 $0x0  }
0x4: {  	s13 =	simm.s32 $0x1;
	s14 =	simm.s32 $0x80;
	s15 =	simm.s32 $0x5180  }
0x5: {  	s16 =	simm.s32 $0x9300;
	s17 =	simm.s32 $0x5200;
	s9 =	smul.u32 $0xA000, s1  }
0x6: {  	s18 =	simm.s32 $0x4;
	s19 =	simm.s32 $0x2;
	s10 =	smul.u32 $0x29000, s1  }
0x7: {  	s7 =	sand.u32 $0x1, s0;
	s0 =	rddreg [dreg:$0x3];
	s29 =	smul.u32 $0xA00, s1  }
0x8: {  	s22 =	simm.s32 $0x0;
	[smem:$0x7FF] =	sst s3;
	s31 =	smul.u32 $0x28000, s1  }
0x9: {  	s4 =	sadd.s32 $0x2BC00, s5;
	s8 =	smul.u32 $0xA0000, s7;
	s26 =	ssub.s32 $0x2, s7  }
0xa: {  	_ =	strace $0x8000004D;
	s20 =	smul.u32 $0xFFFFEC00, s7;
	s28 =	sshrl.u32 s26, $0x1  }
0xb: {  	s30 =	sshrl.u32 s10, $0x2;
	s10 =	sshrl.u32 s31, $0x2;
	s8 =	sadd.s32 s9, s8  }
.Ltmp0:
0xc: {  	v0 =	vlaneseq.u32;
	s12 =	ssub.s32 s26, s28;
	s21 =	sadd.s32 s10, s2;
	(pc) =	sbr.rel .LBB2_1-.Ltmp0, $4  }
0xd: {  	v2 =	vmul.u32 $0x10000, v0;
	v0 =	vmov s20;
	s20 =	simm.s32 $0x5280;
	s8 =	sshrl.u32 s8, $0x3;
	s10 =	smax.u32 s12, $0x1  }
0xe: {  	s11 =	sadd.s32 s8, s5;
	s5 =	sadd.s32 s6, s29;
	s6 =	sadd.s32 s30, s2  }
0xf: {  	s12 =	simm.s32 $0x5300;
	s21 =	sshrl.u32 s21, $0x3;
	s7 =	sadd.s32 $0x4000, s6  }
0x10: {  	v1 =	vimm.f32 $0.0e+00;
	v2 =	vor.u32 $0x14000000, v2;
	s8 =	sadd.s32 $0x8000, s6;
	s9 =	sadd.s32 $0x52E00, s11;
	s11 =	simm.s32 $0x3  }
.LBB2_9:
0x11: {  	s22 =	sadd.s32 $0x1, s22  }
0x12: {  	s23 =	sshll.u32 s1, $0x6;
	p0 =	sne.s32 s22, s10  }
.Ltmp1:
0x13: {  	[bflag:$0x0] =	sbarrier.arrive $0xFFFF;
	s23 =	sor.u32 $0x1C03, s23;
	(pc) =	sbr.rel @!p0 .LBB2_10-.Ltmp1, $4  }
0x14: {  	[hbm:s9], [sflag:s23] =	dma.local [spmem:s21], $0x1400  }
0x15: {  	_ =	swait.ge [sflag:s11], $0x1400  }
0x16: {  	[sflag:s11] =	ssyncset.done $0x0  }
0x17: {  	[sflag:s11] =	ssyncadd.s32 $0xFFFFEC00  }
.LBB2_1:
0x18: {  	[tilespmem:s3], [sflag:$0x3] =	stream.linear.gather [hbm4b:s5+s3], $0x5000, $0x38;
	[tilespmem:$0x17700] =	vst v63  }
0x19: {  	_ =	swait.ge [sflag:s11], $0x5000  }
0x1a: {  	[sflag:s11] =	ssyncset.done $0x0  }
0x1b: {  	s23 =	simm.s32 $0x0;
	s24 =	simm.s32 $0x200;
	[sflag:s11] =	ssyncadd.s32 $0xFFFFB000  }
.LBB2_2:
0x1c: {  	p0 =	sne.s32 s24, $0xFE00;
	[tilespmem:s23+$0x5370] =	vst v1  }
0x1d: {  	[tilespmem:s23+$0x5300] =	vst v1  }
0x1e: {  	[tilespmem:s23+$0x5310] =	vst v1  }
.Ltmp2:
0x1f: {  	[tilespmem:s23+$0x5320] =	vst v1;
	(pc) =	sbr.rel @p0 .LBB2_2-.Ltmp2, $4  }
0x20: {  	[tilespmem:s23+$0x5330] =	vst v1  }
0x21: {  	[tilespmem:s23+$0x5340] =	vst v1  }
0x22: {  	[tilespmem:s23+$0x5350] =	vst v1  }
0x23: {  	[tilespmem:s23+$0x5360] =	vst v1;
	s23 =	sshra.s32 s24, $0x2;
	s24 =	sadd.s32 $0x200, s24  }
0x24: {  	[tilespmem:s23+$0x5370] =	vst v1  }
0x25: {  	[tilespmem:s23+$0x5300] =	vst v1  }
0x26: {  	[tilespmem:s23+$0x5310] =	vst v1  }
0x27: {  	[tilespmem:s23+$0x5320] =	vst v1  }
0x28: {  	[tilespmem:s23+$0x5330] =	vst v1  }
0x29: {  	[tilespmem:s23+$0x5340] =	vst v1  }
0x2a: {  	[tilespmem:s23+$0x5350] =	vst v1  }
0x2b: {  	[tilespmem:s23+$0x5360] =	vst v1  }
0x2c: {  	[spmem:s6] =	stream.linear.scatter [tilespmem:s12], [sflag:$0x3], $0x4000, $0x38;
	[tilespmem:$0x17700] =	vst v63  }
0x2d: {  	_ =	swait.ge [sflag:s11], $0x4000  }
0x2e: {  	[sflag:s11] =	ssyncset.done $0x0  }
0x2f: {  	[sflag:s11] =	ssyncadd.s32 $0xFFFFC000  }
0x30: {  	[spmem:s7] =	stream.linear.scatter [tilespmem:s12], [sflag:$0x3], $0x4000, $0x38;
	[tilespmem:$0x17700] =	vst v63  }
0x31: {  	_ =	swait.ge [sflag:s11], $0x4000  }
0x32: {  	[sflag:s11] =	ssyncset.done $0x0  }
0x33: {  	[sflag:s11] =	ssyncadd.s32 $0xFFFFC000  }
0x34: {  	[spmem:s8] =	stream.linear.scatter [tilespmem:s12], [sflag:$0x3], $0x2400, $0x38;
	[tilespmem:$0x17700] =	vst v63  }
0x35: {  	_ =	swait.ge [sflag:s11], $0x2400  }
0x36: {  	[sflag:s11] =	ssyncset.done $0x0  }
0x37: {  	s31 =	simm.s32 $0x0;
	[sflag:s11] =	ssyncadd.s32 $0xFFFFDC00  }
0x38: {  	v3 =	vld [tilespmem:s31+$0x0];
	_ =	sdelay $0x4  }
0x39: {  	v4 =	vshra.s32 v3, $0x10  }
0x3a: {  	v4 =	vadd.s32 v0, v4  }
0x3b: {  	vm0 =	vlt.u32 v4, $0x1400  }
0x3c: {  	v5 =	vmpcnt.ones.xlane vm0;
	_ =	sdelay $0x1  }
0x3d: {  	v5 =	vxor.u32 $0x80000000, v5  }
0x3e: {  	(xrf0) =	vmax.scan.msk.u32 $0xffff, v5;
	_ =	sdelay $0x4  }
0x3f: {  	v3 =	vand.u32 $0xFFFF, v3;
	v4 =	vshll.u32 v4, $0x10  }
0x40: {  	s23 =	simm.s32 $0x0;
	v3 =	vor.u32 v3, v4;
	v63, _, _ =	vpop (xrf0)  }
0x41: {  	s25 =	simm.s32 $0x10;
	s24 =	simm.s32 $0x80;
	[tilespmem:s23+$0x0] =	vst.msk vm0, v3;
	(v2sf) =	vpush v63, $0xF  }
.LBB2_4:
0x42: {  	p0 =	sne.s32 s24, $0x13FC0;
	v3 =	vld [tilespmem:s25+$0x0];
	_ =	sdelay $0x4  }
0x43: {  	v4 =	vshra.s32 v3, $0x10;
	v3 =	vand.u32 $0xFFFF, v3  }
0x44: {  	v4 =	vadd.s32 v0, v4  }
0x45: {  	vm0 =	vlt.u32 v4, $0x1400;
	v4 =	vshll.u32 v4, $0x10  }
0x46: {  	v5 =	vmpcnt.ones.xlane vm0;
	_ =	sdelay $0x1  }
0x47: {  	v5 =	vxor.u32 $0x80000000, v5  }
0x48: {  	(xrf0) =	vmax.scan.msk.u32 $0xffff, v5;
	_ =	sdelay $0x2  }
.Ltmp3:
0x49: {  	s25 =	spop (v2sf);
	(pc) =	sbr.rel @p0 .LBB2_4-.Ltmp3, $4  }
0x4a: {  	s23 =	sadd.s32 s25, s23  }
0x4b: {  	v4 =	vor.u32 v3, v4;
	s23 =	sadd.s32 $0x80000000, s23  }
0x4c: {  	[tilespmem:s23+$0x0] =	vst.msk vm0, v4;
	v3, _, _ =	vpop (xrf0)  }
0x4d: {  	s25 =	sshra.s32 s24, $0x2;
	s24 =	sadd.s32 $0x40, s24;
	(v2sf) =	vpush v3, $0xF  }
0x4e: {  	v3 =	vld [tilespmem:s25+$0x0];
	_ =	sdelay $0x4  }
0x4f: {  	v4 =	vshra.s32 v3, $0x10  }
0x50: {  	v4 =	vadd.s32 v0, v4  }
0x51: {  	vm0 =	vlt.u32 v4, $0x1400  }
0x52: {  	v5 =	vmpcnt.ones.xlane vm0;
	_ =	sdelay $0x1  }
0x53: {  	v5 =	vxor.u32 $0x80000000, v5  }
0x54: {  	(xrf0) =	vmax.scan.msk.u32 $0xffff, v5;
	_ =	sdelay $0x5  }
0x55: {  	v5, _, _ =	vpop (xrf0)  }
0x56: {  	(v2sf) =	vpush v5, $0xF;
	_ =	sdelay $0xc  }
0x57: {  	s24 =	spop (v2sf)  }
0x58: {  	s23 =	sadd.s32 s24, s23  }
0x59: {  	v3 =	vand.u32 $0xFFFF, v3;
	v4 =	vshll.u32 v4, $0x10;
	s23 =	sadd.s32 $0x80000000, s23;
	s28 =	spop (v2sf)  }
0x5a: {  	v3 =	vor.u32 v3, v4;
	s24 =	sadd.s32 s28, s23  }
0x5b: {  	[tilespmem:s23+$0x0] =	vst.msk vm0, v3;
	s29 =	sadd.s32 $0x80000000, s24  }
0x5c: {  	[tilespmem:s29+$0x0] =	vst v2  }
0x5d: {  	[tilespmem:s29+$0x10] =	vst v2  }
0x5e: {  	[tilespmem:s29+$0x20] =	vst v2  }
0x5f: {  	[tilespmem:s29+$0x30] =	vst v2  }
0x60: {  	[tilespmem:s29+$0x40] =	vst v2  }
0x61: {  	[tilespmem:s29+$0x50] =	vst v2  }
0x62: {  	[tilespmem:s29+$0x60] =	vst v2  }
0x63: {  	[tilespmem:s29+$0x70] =	vst v2  }
0x64: {  	[tilespmem:s29+$0x80] =	vst v2;
	s24 =	sadd.s32 $0xFF, s29  }
0x65: {  	[tilespmem:s29+$0x90] =	vst v2;
	s30 =	sand.u32 $0xFF, s24  }
0x66: {  	[tilespmem:s29+$0xA0] =	vst v2;
	s26 =	sshra.s32 s24, $0x1F;
	p0 =	slt.s32 s24, $0x1;
	p1 =	sne.s32 s30, $0x0  }
0x67: {  	[tilespmem:s29+$0xB0] =	vst v2;
	s31 =	sshrl.u32 s26, $0x18;
	p0 =	por !p0, !p1  }
0x68: {  	s25 =	simm.s32 $0x1;
	[tilespmem:s29+$0xC0] =	vst v2;
	s24 =	sadd.s32 s31, s24;
	p0 =	por !p0, !p0  }
0x69: {  	[tilespmem:s29+$0xD0] =	vst v2;
	s24 =	sshrl.u32 s24, $0x8;
	s25 =	simm.s32 @!p0 $0x0  }
0x6a: {  	[tilespmem:s29+$0xE0] =	vst v2;
	s24 =	ssub.s32 s24, s25  }
0x6b: {  	[tilespmem:s29+$0xF0] =	vst v2;
	s23 =	sshll.u32 s24, $0x8  }
0x6c: {  	[bflag:$0x0] =	sbarrier.arrive $0xFFFF;
	p0 =	slt.s32 s23, $0x1  }
0x6d: {  	v3 =	vld @!p0 [tilespmem:$0x0];
	_ =	sdelay $0x1  }
0x6e: {  	v4 =	vld @!p0 [tilespmem:$0x10];
	_ =	sdelay $0x1  }
0x6f: {  	v5 =	vld @!p0 [tilespmem:$0x20]  }
0x70: {  	v6 =	vand.u32 @!p0 $0xFFFF, v3  }
0x71: {  	v3 =	vshra.s32 @!p0 v3, $0x10;
	[tilespmem:$0x5100] =	vst @!p0 v6;
	v6 =	vld @!p0 [tilespmem:$0x30]  }
0x72: {  	[tilespmem:$0x5200] =	vst @!p0 v3;
	v3 =	vand.u32 @!p0 $0xFFFF, v4  }
0x73: {  	[tilespmem:$0x5110] =	vst @!p0 v3;
	v3 =	vshra.s32 @!p0 v4, $0x10;
	v4 =	vld @!p0 [tilespmem:$0x40]  }
0x74: {  	[tilespmem:$0x5210] =	vst @!p0 v3;
	v3 =	vand.u32 @!p0 $0xFFFF, v5  }
0x75: {  	[tilespmem:$0x5120] =	vst @!p0 v3;
	v3 =	vshra.s32 @!p0 v5, $0x10;
	v5 =	vld @!p0 [tilespmem:$0x50]  }
0x76: {  	[tilespmem:$0x5220] =	vst @!p0 v3;
	v3 =	vand.u32 @!p0 $0xFFFF, v6  }
0x77: {  	[tilespmem:$0x5130] =	vst @!p0 v3;
	v3 =	vshra.s32 @!p0 v6, $0x10;
	v6 =	vld @!p0 [tilespmem:$0x60]  }
0x78: {  	[tilespmem:$0x5230] =	vst @!p0 v3;
	v3 =	vand.u32 @!p0 $0xFFFF, v4  }
0x79: {  	[tilespmem:$0x5140] =	vst @!p0 v3;
	v3 =	vshra.s32 @!p0 v4, $0x10;
	v4 =	vld @!p0 [tilespmem:$0x70]  }
0x7a: {  	[tilespmem:$0x5240] =	vst @!p0 v3;
	v3 =	vand.u32 @!p0 $0xFFFF, v5  }
0x7b: {  	[tilespmem:$0x5150] =	vst @!p0 v3;
	v3 =	vshra.s32 @!p0 v5, $0x10  }
0x7c: {  	[tilespmem:$0x5250] =	vst @!p0 v3;
	v3 =	vand.u32 @!p0 $0xFFFF, v6  }
0x7d: {  	[tilespmem:$0x5160] =	vst @!p0 v3;
	v3 =	vshra.s32 @!p0 v6, $0x10  }
.Ltmp4:
0x7e: {  	[tilespmem:$0x5260] =	vst @!p0 v3;
	v3 =	vand.u32 @!p0 $0xFFFF, v4;
	(pc) =	sbr.rel .LBB2_6-.Ltmp4, $4  }
0x7f: {  	[tilespmem:$0x5170] =	vst @!p0 v3;
	v3 =	vshra.s32 @!p0 v4, $0x10  }
0x80: {  	s24 =	simm.s32 @!p0 $0x80;
	s25 =	simm.s32 @!p0 $0x5100;
	s26 =	simm.s32 @!p0 $0x5300;
	[tilespmem:$0x5270] =	vst @!p0 v3  }
0x81: {  	[tilespmem:s26], [sflag:$0x1] =	stream.indirect.gather @!p0 [hbm4b:s4+s24], $0x80, s25, s24, $0xb8;
	[tilespmem:$0x17700] =	vst v63  }
0x82: {  	s24 =	simm.s32 $0x100;
	s25 =	simm.s32 $0xC0  }
.LBB2_8:
0x83: {  	s24 =	sadd.s32 $0x100, s24  }
0x84: {  	p0 =	sne.s32 s24, $0x5100  }
.Ltmp5:
0x85: {  	_ = 	snop;
	(pc) =	sbr.rel @!p0 .LBB2_9-.Ltmp5, $2  }
0x86: {  	_ =	sdelay $0x2  }
0x87: {  	s25 =	sadd.s32 $0x100, s25  }
.LBB2_6:
0x88: {  	s26 =	sadd.s32 $0xFFFFFF00, s24  }
0x89: {  	p0 =	sge.s32 s26, s23  }
.Ltmp6:
0x8a: {  	_ = 	snop;
	(pc) =	sbr.rel @p0 .LBB2_8-.Ltmp6, $1  }
0x8b: {  	_ =	sdelay $0x3  }
0x8c: {  	v3 =	vld [tilespmem:s25+$0xFFFFFFC0];
	_ =	sdelay $0x4  }
0x8d: {  	v4 =	vand.u32 $0xFFFF, v3  }
0x8e: {  	v3 =	vshra.s32 v3, $0x10;
	[tilespmem:$0x5180] =	vst v4  }
0x8f: {  	[tilespmem:$0x5280] =	vst v3  }
0x90: {  	v3 =	vld [tilespmem:s25+$0xFFFFFFD0];
	_ =	sdelay $0x4  }
0x91: {  	v57 =	vand.u32 $0xFFFF, v3  }
0x92: {  	v3 =	vshra.s32 v3, $0x10;
	[tilespmem:$0x5190] =	vst v57  }
0x93: {  	[tilespmem:$0x5290] =	vst v3  }
0x94: {  	v3 =	vld [tilespmem:s25+$0xFFFFFFE0];
	_ =	sdelay $0x4  }
0x95: {  	v58 =	vand.u32 $0xFFFF, v3  }
0x96: {  	v3 =	vshra.s32 v3, $0x10;
	[tilespmem:$0x51A0] =	vst v58  }
0x97: {  	[tilespmem:$0x52A0] =	vst v3  }
0x98: {  	v3 =	vld [tilespmem:s25+$0xFFFFFFF0];
	_ =	sdelay $0x4  }
0x99: {  	v59 =	vand.u32 $0xFFFF, v3  }
0x9a: {  	v3 =	vshra.s32 v3, $0x10;
	[tilespmem:$0x51B0] =	vst v59  }
0x9b: {  	[tilespmem:$0x52B0] =	vst v3  }
0x9c: {  	v3 =	vld [tilespmem:s25+$0x0];
	_ =	sdelay $0x4  }
0x9d: {  	v60 =	vand.u32 $0xFFFF, v3  }
0x9e: {  	v3 =	vshra.s32 v3, $0x10;
	[tilespmem:$0x51C0] =	vst v60  }
0x9f: {  	[tilespmem:$0x52C0] =	vst v3  }
0xa0: {  	v3 =	vld [tilespmem:s25+$0x10];
	_ =	sdelay $0x4  }
0xa1: {  	v61 =	vand.u32 $0xFFFF, v3  }
0xa2: {  	v3 =	vshra.s32 v3, $0x10;
	[tilespmem:$0x51D0] =	vst v61  }
0xa3: {  	[tilespmem:$0x52D0] =	vst v3  }
0xa4: {  	v3 =	vld [tilespmem:s25+$0x20];
	_ =	sdelay $0x4  }
0xa5: {  	v62 =	vand.u32 $0xFFFF, v3  }
0xa6: {  	v3 =	vshra.s32 v3, $0x10;
	[tilespmem:$0x51E0] =	vst v62  }
0xa7: {  	[tilespmem:$0x52E0] =	vst v3  }
0xa8: {  	v3 =	vld [tilespmem:s25+$0x30];
	_ =	sdelay $0x4  }
0xa9: {  	v63 =	vand.u32 $0xFFFF, v3  }
0xaa: {  	v3 =	vshra.s32 v3, $0x10;
	[tilespmem:$0x51F0] =	vst v63  }
0xab: {  	[tilespmem:$0x52F0] =	vst v3  }
0xac: {  	[tilespmem:s16], [sflag:$0x2] =	stream.indirect.gather [hbm4b:s4+s14], $0x80, s15, s14, $0xb8;
	[tilespmem:$0x17700] =	vst v63  }
0xad: {  	_ =	swait.ge [sflag:s13], $0x4000  }
0xae: {  	[sflag:s13] =	ssyncset.done $0x0  }
0xaf: {  	[sflag:s13] =	ssyncadd.s32 $0xFFFFC000  }
0xb0: {  	[spmem:s2] =	stream.indirect.scatter.add.f32 [tilespmem:s12], [sflag:$0x4], $0x80, s17, s14, $0xb8;
	[tilespmem:$0x17700] =	vst v63  }
0xb1: {  	_ =	swait.ge [sflag:s18], $0x4000  }
0xb2: {  	[sflag:s18] =	ssyncset.done $0x0  }
0xb3: {  	p0 =	sge.s32 s24, s23;
	[sflag:s18] =	ssyncadd.s32 $0xFFFFC000  }
0xb4: {  	v3 =	vld @!p0 [tilespmem:s25+$0x40];
	_ =	sdelay $0x4  }
0xb5: {  	v4 =	vand.u32 @!p0 $0xFFFF, v3  }
0xb6: {  	v3 =	vshra.s32 @!p0 v3, $0x10;
	[tilespmem:$0x5100] =	vst @!p0 v4  }
0xb7: {  	[tilespmem:$0x5200] =	vst @!p0 v3  }
0xb8: {  	v3 =	vld @!p0 [tilespmem:s25+$0x50];
	_ =	sdelay $0x4  }
0xb9: {  	v4 =	vand.u32 @!p0 $0xFFFF, v3  }
0xba: {  	v3 =	vshra.s32 @!p0 v3, $0x10;
	[tilespmem:$0x5110] =	vst @!p0 v4  }
0xbb: {  	[tilespmem:$0x5210] =	vst @!p0 v3  }
0xbc: {  	v3 =	vld @!p0 [tilespmem:s25+$0x60];
	_ =	sdelay $0x4  }
0xbd: {  	v4 =	vand.u32 @!p0 $0xFFFF, v3  }
0xbe: {  	v3 =	vshra.s32 @!p0 v3, $0x10;
	[tilespmem:$0x5120] =	vst @!p0 v4  }
0xbf: {  	[tilespmem:$0x5220] =	vst @!p0 v3  }
0xc0: {  	v3 =	vld @!p0 [tilespmem:s25+$0x70];
	_ =	sdelay $0x4  }
0xc1: {  	v4 =	vand.u32 @!p0 $0xFFFF, v3  }
0xc2: {  	v3 =	vshra.s32 @!p0 v3, $0x10;
	[tilespmem:$0x5130] =	vst @!p0 v4  }
0xc3: {  	[tilespmem:$0x5230] =	vst @!p0 v3  }
0xc4: {  	v3 =	vld @!p0 [tilespmem:s25+$0x80];
	_ =	sdelay $0x4  }
0xc5: {  	v4 =	vand.u32 @!p0 $0xFFFF, v3  }
0xc6: {  	v3 =	vshra.s32 @!p0 v3, $0x10;
	[tilespmem:$0x5140] =	vst @!p0 v4  }
0xc7: {  	[tilespmem:$0x5240] =	vst @!p0 v3  }
0xc8: {  	v3 =	vld @!p0 [tilespmem:s25+$0x90];
	_ =	sdelay $0x4  }
0xc9: {  	v4 =	vand.u32 @!p0 $0xFFFF, v3  }
0xca: {  	v3 =	vshra.s32 @!p0 v3, $0x10;
	[tilespmem:$0x5150] =	vst @!p0 v4  }
0xcb: {  	[tilespmem:$0x5250] =	vst @!p0 v3  }
0xcc: {  	v3 =	vld @!p0 [tilespmem:s25+$0xA0];
	_ =	sdelay $0x4  }
0xcd: {  	v4 =	vand.u32 @!p0 $0xFFFF, v3  }
0xce: {  	v3 =	vshra.s32 @!p0 v3, $0x10;
	[tilespmem:$0x5160] =	vst @!p0 v4  }
0xcf: {  	[tilespmem:$0x5260] =	vst @!p0 v3  }
0xd0: {  	v3 =	vld @!p0 [tilespmem:s25+$0xB0];
	_ =	sdelay $0x4  }
0xd1: {  	v4 =	vand.u32 @!p0 $0xFFFF, v3  }
0xd2: {  	v3 =	vshra.s32 @!p0 v3, $0x10;
	[tilespmem:$0x5170] =	vst @!p0 v4  }
0xd3: {  	s26 =	simm.s32 @!p0 $0x80;
	s28 =	simm.s32 @!p0 $0x5100;
	s29 =	simm.s32 @!p0 $0x5300;
	[tilespmem:$0x5270] =	vst @!p0 v3  }
0xd4: {  	[tilespmem:s29], [sflag:$0x1] =	stream.indirect.gather @!p0 [hbm4b:s4+s26], $0x80, s28, s26, $0xb8;
	[tilespmem:$0x17700] =	vst v63  }
0xd5: {  	_ =	swait.ge [sflag:s19], $0x4000  }
0xd6: {  	[sflag:s19] =	ssyncset.done $0x0  }
.Ltmp7:
0xd7: {  	[sflag:s19] =	ssyncadd.s32 $0xFFFFC000;
	(pc) =	sbr.rel .LBB2_8-.Ltmp7, $4  }
0xd8: {  	[spmem:s2] =	stream.indirect.scatter.add.f32 [tilespmem:s16], [sflag:$0x3], $0x80, s20, s14, $0xb8;
	[tilespmem:$0x17700] =	vst v63  }
0xd9: {  	_ =	swait.ge [sflag:s11], $0x4000  }
0xda: {  	[sflag:s11] =	ssyncset.done $0x0  }
0xdb: {  	[sflag:s11] =	ssyncadd.s32 $0xFFFFC000  }
.LBB2_10:
0xdc: {  	_ =	sfence.sel $0x180000  }
0xdd: {  	[bflag:$0x0] =	sbarrier.arrive $0xFFFF  }
0xde: {  	p0 =	sne.s32 s1, $0x0;
	_ =	strace $0x9000004D  }
0xdf: {  	s0 =	sadd.s32 @!p0 $0x100000, s0;
	[bflag:$0x2] =	sbarrier.arrive $0xFFFF  }
0xe0: {  	[sflag:s0] =	ssyncadd.tile.s32 @!p0 $0x1;
	_ =	shalt  }
.Lfunc_end2:
_tile_overlayer_lowered:
.L_overlay_start_2:
0xe1: {  	(tag) =	ssettag $0x2  }
0xe2: {  	s0 =	rddreg [dreg:$0x0];
	s2 =	stileid.u32  }
0xe3: {  	s1 =	rddreg [dreg:$0x1];
	p0 =	sne.s32 s2, $0x0  }
0xe4: {  	s3 =	rddreg [dreg:$0x2];
	[bflag:$0x3] =	sbarrier.arrive $0xFFFF;
	s2 =	simm.s32 @!p0 $0x1C03  }
0xe5: {  	[timem:s3], [sflag:s2] =	dma.local @!p0 [hbm:s0], s1  }
0xe6: {  	s0 =	simm.s32 @!p0 $0x3  }
0xe7: {  	_ =	swait.ge @!p0 [sflag:s0], s1  }
0xe8: {  	s1 =	ssub.s32 @!p0 $0x0, s1;
	[sflag:s0] =	ssyncset.done @!p0 $0x0  }
0xe9: {  	[sflag:s0] =	ssyncadd.s32 @!p0 s1  }
0xea: {  	[bflag:$0x3] =	sbarrier.arrive $0xFFFF  }
0xeb: {  	_ =	shalt  }

// kernel: kernel.8.cloned.1.call-start
scs
__scs_entry_jumppad:
0x0: {  	(pc) =	sbr.rel $0x88, $3  }
0x1: {  	(tag) =	ssettag $0x0;
	lr =	simm.s32 $0x1  }
0x2: {  	[smem:$0x3F95] =	sst lr;
	_ =	strace $0xD0000000  }
0x3: {  	_ = 	snop  }
0x4: {  	_ = 	snop  }
0x5: {  	_ = 	snop  }
0x6: {  	_ = 	snop  }
0x7: {  	_ = 	snop  }
__scs_overlays_trampoline_lowered:
0x8: {  	[smem:$0x3FA4] =	sst s0  }
0x9: {  	[smem:$0x3FA5] =	sst s1  }
0xa: {  	[smem:$0x3FA6] =	sst s2  }
0xb: {  	[smem:$0x3FA7] =	sst s3  }
0xc: {  	[smem:$0x3FA8] =	sst s4  }
0xd: {  	[smem:$0x3FA9] =	sst s5  }
0xe: {  	[smem:$0x3FAA] =	sst s6  }
0xf: {  	[smem:$0x3FAB] =	sst s7  }
0x10: {  	[smem:$0x3FAC] =	sst s8  }
0x11: {  	[smem:$0x3FAD] =	sst s9;
	s0 =	simm.s32 @!p0 $0x0  }
0x12: {  	s1 =	sld [smem:$0x3F93];
	s0 =	simm.s32 @p0 $0x1  }
0x13: {  	[smem:$0x3FAE] =	sst s0;
	s0 =	simm.s32 @!p1 $0x0  }
0x14: {  	s2 =	sld [smem:$0x3F92];
	s0 =	simm.s32 @p1 $0x1  }
0x15: {  	[smem:$0x3FAF] =	sst s0;
	s0 =	simm.s32 @!p2 $0x0  }
0x16: {  	s3 =	sld [smem:$0x3FDB];
	s0 =	simm.s32 @p2 $0x1  }
0x17: {  	s4 =	simm.s32 $0x1BF5;
	[smem:$0x3FB1] =	sst s0  }
0x18: {  	s0 =	sld [smem:$0x3F94];
	_ =	swait.ge [sflag:s4], $0x0  }
0x19: {  	s7 =	sld [smem:$0x3F95]  }
0x1a: {  	s8 =	sadd.s32 $0xFFFFE003, lr  }
0x1b: {  	s9 =	sadd.s32 $0xFFFFFEF7, lr;
	s5 =	simm.s32 $0xFFFFFFFF;
	p2 =	slt.u32 s8, $0xFFFFF086  }
0x1c: {  	p1 =	slt.u32 s9, $0xF7A;
	s5 =	simm.s32 @!p2 $0x0  }
0x1d: {  	s5 =	simm.s32 @p1 $0x1;
	p0 =	seq.s32 s7, s2  }
0x1e: {  	s7 =	smul.u32 @!p0 $0xF7A, s2;
	p2 =	seq.s32 @!p0 s5, $0x0  }
0x1f: {  	s9 =	smul.u32 $0xF7A, s1;
	s8 =	simm.s32 @!p0 $0x1BF5;
	p2 =	por !p2, p0  }
0x20: {  	[sflag:s8] =	ssyncset.s32 @!p0 $0xFFFFF086;
	s6 =	sadd.s32 @!p0 s3, s7;
	s7 =	simm.s32 @!p0 $0x108  }
0x21: {  	s3 =	sadd.s32 s3, s9;
	s6 =	sadd.s32 @!p0 $0x88, s6;
	s7 =	simm.s32 @p2 $0x1082  }
0x22: {  	[simem:s7], [sflag:s8] =	dma.local @!p0 [hbm:s6], $0xF7A  }
0x23: {  	s9 =	sor.u32 $0xD0000000, s2;
	s6 =	simm.s32 $0x108;
	_ =	swait.ge @!p0 [sflag:s8], $0x0  }
0x24: {  	s3 =	sadd.s32 $0x88, s3;
	s6 =	simm.s32 @!p1 $0x1082;
	[sflag:s4] =	ssyncset.s32 $0xFFFFF086  }
0x25: {  	[simem:s6], [sflag:s4] =	dma.local [hbm:s3], $0xF7A  }
0x26: {  	[smem:$0x3F95] =	sst s1;
	(tag) =	ssettag s2;
	_ =	strace s9  }
0x27: {  	s1 =	sld [smem:$0x3FA5]  }
0x28: {  	s2 =	sld [smem:$0x3FA6]  }
0x29: {  	s4 =	sld [smem:$0x3FA8]  }
0x2a: {  	p0 =	seq.s32 s5, $0x0;
	s5 =	sld [smem:$0x3FA9]  }
0x2b: {  	s6 =	sld [smem:$0x3FAA]  }
0x2c: {  	s7 =	sld [smem:$0x3FAB]  }
0x2d: {  	s3 =	simm.s32 $0x108;
	s8 =	sld [smem:$0x3FAC]  }
0x2e: {  	s3 =	simm.s32 @!p0 $0x1082;
	s9 =	sld [smem:$0x3FAD]  }
0x2f: {  	lr =	sadd.s32 s0, s3;
	s0 =	sld [smem:$0x3FA4]  }
0x30: {  	s3 =	sld [smem:$0x3FA7]  }
0x31: {  	[smem:$0x3FB0] =	sst s10  }
0x32: {  	s10 =	sld [smem:$0x3FAE];
	_ =	sdelay $0x3  }
0x33: {  	p0 =	seq.s32 s10, $0x1;
	s10 =	sld [smem:$0x3FB0];
	_ =	sdelay $0x3  }
0x34: {  	[smem:$0x3FB0] =	sst s10  }
0x35: {  	s10 =	sld [smem:$0x3FAF];
	_ =	sdelay $0x3  }
0x36: {  	p1 =	seq.s32 s10, $0x1;
	s10 =	sld [smem:$0x3FB0];
	_ =	sdelay $0x3  }
0x37: {  	[smem:$0x3FB0] =	sst s10  }
0x38: {  	s10 =	sld [smem:$0x3FB1]  }
0x39: {  	_ = 	snop;
	(pc) =	sbr.ind lr, $3  }
0x3a: {  	_ = 	snop  }
0x3b: {  	_ = 	snop  }
0x3c: {  	p2 =	seq.s32 s10, $0x1;
	s10 =	sld [smem:$0x3FB0]  }
0x3d: {  	_ =	shalt  }
0x3e: {  	_ =	shalt  }
0x3f: {  	_ =	shalt  }
0x40: {  	_ =	shalt  }
0x41: {  	_ =	shalt  }
0x42: {  	_ =	shalt  }
0x43: {  	_ =	shalt  }
0x44: {  	_ =	shalt  }
0x45: {  	_ =	shalt  }
0x46: {  	_ =	shalt  }
0x47: {  	_ =	shalt  }
0x48: {  	_ =	shalt  }
0x49: {  	_ =	shalt  }
0x4a: {  	_ =	shalt  }
0x4b: {  	_ =	shalt  }
0x4c: {  	_ =	shalt  }
0x4d: {  	_ =	shalt  }
0x4e: {  	_ =	shalt  }
0x4f: {  	_ =	shalt  }
0x50: {  	_ =	shalt  }
0x51: {  	_ =	shalt  }
0x52: {  	_ =	shalt  }
0x53: {  	_ =	shalt  }
0x54: {  	_ =	shalt  }
0x55: {  	_ =	shalt  }
0x56: {  	_ =	shalt  }
0x57: {  	_ =	shalt  }
0x58: {  	_ =	shalt  }
0x59: {  	_ =	shalt  }
0x5a: {  	_ =	shalt  }
0x5b: {  	_ =	shalt  }
0x5c: {  	_ =	shalt  }
0x5d: {  	_ =	shalt  }
0x5e: {  	_ =	shalt  }
0x5f: {  	_ =	shalt  }
0x60: {  	_ =	shalt  }
0x61: {  	_ =	shalt  }
0x62: {  	_ =	shalt  }
0x63: {  	_ =	shalt  }
0x64: {  	_ =	shalt  }
0x65: {  	_ =	shalt  }
0x66: {  	_ =	shalt  }
0x67: {  	_ =	shalt  }
0x68: {  	_ =	shalt  }
0x69: {  	_ =	shalt  }
0x6a: {  	_ =	shalt  }
0x6b: {  	_ =	shalt  }
0x6c: {  	_ =	shalt  }
0x6d: {  	_ =	shalt  }
0x6e: {  	_ =	shalt  }
0x6f: {  	_ =	shalt  }
0x70: {  	_ =	shalt  }
0x71: {  	_ =	shalt  }
0x72: {  	_ =	shalt  }
0x73: {  	_ =	shalt  }
0x74: {  	_ =	shalt  }
0x75: {  	_ =	shalt  }
0x76: {  	_ =	shalt  }
0x77: {  	_ =	shalt  }
0x78: {  	_ =	shalt  }
0x79: {  	_ =	shalt  }
0x7a: {  	_ =	shalt  }
0x7b: {  	_ =	shalt  }
0x7c: {  	_ =	shalt  }
0x7d: {  	_ =	shalt  }
0x7e: {  	_ =	shalt  }
0x7f: {  	_ =	shalt  }
0x80: {  	_ =	shalt  }
0x81: {  	_ =	shalt  }
0x82: {  	_ =	shalt  }
0x83: {  	_ =	shalt  }
0x84: {  	_ =	shalt  }
0x85: {  	_ =	shalt  }
0x86: {  	_ =	shalt  }
0x87: {  	_ =	shalt  }
.Lfunc_end0:
.L_simem_size_0:
called_computation_lowered:
.L_overlay_start_0:
0x88: {  	s2 =	sld [smem:$0x3FD9]  }
0x89: {  	s3 =	sld [smem:$0x3FFE];
	_ =	sdelay $0x1  }
0x8a: {  	s1 =	srdreg.scid  }
0x8b: {  	s0 =	sand.u32 $0x1, s1  }
0x8c: {  	s16 =	sshll.u32 s0, $0xA;
	s2 =	sadd.s32 s3, s2  }
0x8d: {  	s2 =	sadd.s32 s2, s16  }
0x8e: {  	[smem:$0x3FBC] =	sst s2  }
0x8f: {  	_ = 	snop  }
0x90: {  	(tm) =	ssettm $0x1  }
0x91: {  	s17 =	sld [smem:$0x3FFB];
	_ =	sdelay $0x3  }
0x92: {  	_ =	strace s17  }
0x93: {  	s2 =	sld [smem:$0x3FFC];
	_ =	sdelay $0x3  }
0x94: {  	_ =	strace s2  }
0x95: {  	s2 =	sld [smem:$0x3FFD];
	_ =	sdelay $0x3  }
0x96: {  	_ =	strace s2  }
0x97: {  	_ =	strace $0x8FFFFFFF  }
0x98: {  	s18 =	sld [smem:$0x3FDB];
	_ =	sdelay $0x1  }
0x99: {  	s19 =	simm.s32 $_scs_section_size  }
0x9a: {  	s4 =	simm.s32 $_size__tile_overlayer_lowered;
	s5 =	simm.s32 $_tile_overlayer_lowered  }
0x9b: {  	s22 =	simm.s32 $0x1BFF;
	s21 =	sshll.u32 s5, $0x1;
	s2 =	sadd.s32 s19, s18  }
0x9c: {  	s6 =	simm.s32 $0x0;
	s20 =	sshll.u32 s4, $0x1;
	s4 =	sadd.s32 s21, s2  }
0x9d: {  	[timem:s6], [sflag:s22] =	dma.local [hbm:s4], s20  }
0x9e: {  	_ =	swait.ge [sflag:s22], s20  }
0x9f: {  	s3 =	ssub.s32 $0x0, s20;
	[sflag:s22] =	ssyncset.done $0x0  }
0xa0: {  	[sflag:s22] =	ssyncadd.s32 s3;
	_ =	sdelay $0x1  }
0xa1: {  	s23 =	simm.s32 $0x1B8B  }
0xa2: {  	_ =	swait.ge [sflag:s23], $0x1  }
0xa3: {  	[sflag:s23] =	ssyncset.done $0x0  }
0xa4: {  	s25 =	simm.s32 $0x1B8E;
	s24 =	sld [smem:$0x3FFE];
	[sflag:s23] =	ssyncadd.s32 $0xFFFFFFFF  }
0xa5: {  	s26 =	simm.s32 $execute0_lowered;
	[smem:$0x3FD2] =	sst s25  }
0xa6: {  	s4 =	sshll.u32 s26, $0x1;
	_ =	strace $0x80000046;
	[dreg:$0x1] =	wrdreg $0xFFFFFFFF  }
0xa7: {  	s28 =	simm.s32 $_size_execute0_lowered;
	s2 =	sadd.s32 s2, s4;
	[dreg:$0x0] =	wrdreg $0x0  }
0xa8: {  	s4 =	sshll.u32 s28, $0x1;
	[dreg:$0x2] =	wrdreg s2  }
0xa9: {  	[dreg:$0x3] =	wrdreg s4  }
0xaa: {  	[dreg:$0x4] =	wrdreg $0xC0  }
0xab: {  	_ =	task [dreg:s6], $0x5FFFF  }
0xac: {  	[dreg:$0x1] =	wrdreg $0xFFFFFFFF  }
0xad: {  	[dreg:$0x0] =	wrdreg $0x60  }
0xae: {  	[dreg:$0x2] =	wrdreg s24  }
0xaf: {  	[dreg:$0x3] =	wrdreg $0x9  }
0xb0: {  	_ =	task.clear_ibuf [dreg:s6], $0x4FFFF;
	_ =	strace $0x90000046  }
0xb1: {  	s29 =	simm.s32 $0x9;
	_ =	strace $0x80000048  }
0xb2: {  	_ =	swait.ge [sflag:s29], $0x1  }
0xb3: {  	[sflag:s29] =	ssyncadd.s32 $0xFFFFFFFF  }
0xb4: {  	_ =	strace $0x90000048  }
0xb5: {  	_ =	sfence  }
0xb6: {  	s30 =	sld [smem:$0x0];
	_ =	sdelay $0x2  }
0xb7: {  	s31 =	sshll.u32 s1, $0xD;
	s1 =	sshrl.u32 s1, $0x2  }
0xb8: {  	s3 =	sand.u32 $0x4000, s31;
	s1 =	sadd.s32 s1, s30  }
0xb9: {  	s0 =	sor.u32 s3, s0;
	s1 =	sshll.u32 s1, $0x11  }
0xba: {  	s0 =	sor.u32 s1, s0  }
0xbb: {  	s0 =	sadd.s32 $0x8F2B, s0  }
0xbc: {  	[sflag:s0] =	ssyncadd.remote.s32 $0x1  }
0xbd: {  	_ =	sfence.sel $0xFFFF  }
0xbe: {  	[dreg:$0x0] =	wrdreg $0xFFFFFFFF;
	(pc) =	sbr.abs _section_cstart, $3  }
0xbf: {  	[dreg:$0x1] =	wrdreg $0xFFFFFFFF  }
0xc0: {  	_ =	task.clear_ibuf [dreg:s6], $0x2FFFF;
	_ =	strace $0x9FFFFFFF  }
0xc1: {  	(tm) =	ssettm $0x7FFFFFFF  }
tec
execute0_lowered:
.L_overlay_start_1:
0x0: {  	(tag) =	ssettag $0x1  }
0x1: {  	s0 =	srdreg.scid  }
0x2: {  	s5 =	rddreg [dreg:$0x0];
	s3 =	sand.u32 $0x1, s0  }
0x3: {  	s2 =	simm.s32 $0x0;
	s0 =	stileid.u32;
	s1 =	sshll.u32 s3, $0x4  }
0x4: {  	s8 =	simm.s32 $0x80;
	s9 =	simm.s32 $0x400;
	s4 =	sor.u32 s0, s1  }
0x5: {  	s10 =	simm.s32 $0x0;
	[smem:$0x7FF] =	sst s2;
	s1 =	sshrl.u32 s4, $0x3  }
0x6: {  	s7 =	sshll.u32 s0, $0x7;
	s3 =	ssub.s32 $0x2, s3;
	s6 =	smul.u32 $0x14000, s1  }
0x7: {  	s7 =	sand.u32 $0x380, s7;
	s31 =	sshrl.u32 s3, $0x1;
	s4 =	smul.u32 $0x4E2, s4  }
0x8: {  	s1 =	rddreg [dreg:$0x1];
	_ =	strace $0x80000047;
	s6 =	sor.u32 s7, s6  }
0x9: {  	s4 =	sadd.s32 s4, s5;
	s7 =	simm.s32 $0x2780;
	s6 =	sshrl.u32 s6, $0x3  }
0xa: {  	s5 =	sadd.s32 s6, s5;
	s6 =	ssub.s32 s3, s31;
	s3 =	sadd.s32 $0x3C00, s4  }
0xb: {  	v0 =	vimm.f32 $0.0e+00;
	v1 =	vimm.f32 $1.000000000e+00;
	s4 =	sadd.s32 $0xDA00, s5;
	s5 =	smax.u32 s6, $0x1;
	s6 =	simm.s32 $0x1  }
.LBB2_1:
0xc: {  	[tilespmem:s2], [sflag:$0x1] =	stream.linear.gather [hbm4b:s3+s2], $0x2710, $0x38;
	[tilespmem:$0x4F80] =	vst v63  }
0xd: {  	_ =	swait.ge [sflag:s6], $0x2710  }
0xe: {  	[sflag:s6] =	ssyncset.done $0x0  }
0xf: {  	s11 =	simm.s32 $0x0;
	[sflag:s6] =	ssyncadd.s32 $0xFFFFD8F0  }
.LBB2_2:
0x10: {  	p0 =	sne.s32 s11, $0x9FC0  }
.Ltmp0:
0x11: {  	_ = 	snop;
	(pc) =	sbr.rel @p0 .LBB2_2-.Ltmp0, $3  }
0x12: {  	_ =	sdelay $0x1  }
0x13: {  	s12 =	sshra.s32 s11, $0x2  }
0x14: {  	s11 =	sadd.s32 $0x40, s11;
	[tilespmem:s12+$0x2780] =	vst v0  }
0x15: {  	s12 =	simm.s32 $0x0;
	s11 =	simm.s32 $0x40  }
.LBB2_4:
0x16: {  	p0 =	sne.s32 s11, $0x9C00;
	v2 =	vld [tilespmem:s12+$0x0];
	_ =	sdelay $0x3  }
.Ltmp1:
0x17: {  	(pc) =	sbr.rel @p0 .LBB2_4-.Ltmp1, $2  }
0x18: {  	_ =	sdelay $0x2  }
0x19: {  	s12 =	sshra.s32 s11, $0x2;
	s11 =	sadd.s32 $0x40, s11;
	[tilespmem:v2+s7+$0x0] =	vst.idx.add.f32.msk $0xffff, v1  }
0x1a: {  	v2 =	vld [tilespmem:s12+$0x0];
	_ =	sdelay $0x5  }
0x1b: {  	s10 =	sadd.s32 $0x1, s10  }
0x1c: {  	p0 =	sne.s32 s10, s5  }
.Ltmp2:
0x1d: {  	[tilespmem:v2+s7+$0x0] =	vst.idx.add.f32.msk $0xffff, v1;
	(pc) =	sbr.rel @p0 .LBB2_1-.Ltmp2, $4  }
0x1e: {  	[hbm4b:s4+s8] =	stream.strided.scatter [tilespmem:s7], [sflag:$0x1], $0x2800, s9, s8, $0x38;
	[tilespmem:$0x4F80] =	vst v63  }
0x1f: {  	_ =	swait.ge [sflag:s6], $0x2800  }
0x20: {  	[sflag:s6] =	ssyncset.done $0x0  }
0x21: {  	[sflag:s6] =	ssyncadd.s32 $0xFFFFD800  }
0x22: {  	_ =	sfence.sel $0x180000  }
0x23: {  	[bflag:$0x0] =	sbarrier.arrive $0xFFFF  }
0x24: {  	p0 =	sne.s32 s0, $0x0;
	_ =	strace $0x90000047  }
0x25: {  	s0 =	sadd.s32 @!p0 $0x100000, s1;
	[bflag:$0x2] =	sbarrier.arrive $0xFFFF  }
0x26: {  	[sflag:s0] =	ssyncadd.tile.s32 @!p0 $0x1;
	_ =	shalt  }
.Lfunc_end2:
_tile_overlayer_lowered:
.L_overlay_start_2:
0x27: {  	(tag) =	ssettag $0x2  }
0x28: {  	s0 =	rddreg [dreg:$0x0];
	s2 =	stileid.u32  }
0x29: {  	s1 =	rddreg [dreg:$0x1];
	p0 =	sne.s32 s2, $0x0  }
0x2a: {  	s3 =	rddreg [dreg:$0x2];
	[bflag:$0x3] =	sbarrier.arrive $0xFFFF;
	s2 =	simm.s32 @!p0 $0x1C01  }
0x2b: {  	[timem:s3], [sflag:s2] =	dma.local @!p0 [hbm:s0], s1  }
0x2c: {  	s0 =	simm.s32 @!p0 $0x1  }
0x2d: {  	_ =	swait.ge @!p0 [sflag:s0], s1  }
0x2e: {  	s1 =	ssub.s32 @!p0 $0x0, s1;
	[sflag:s0] =	ssyncset.done @!p0 $0x0  }
0x2f: {  	[sflag:s0] =	ssyncadd.s32 @!p0 s1  }
0x30: {  	[bflag:$0x3] =	sbarrier.arrive $0xFFFF  }
0x31: {  	_ =	shalt  }

</sc_bundles>
